<compile_context>
chip_gen: v7x
topology: tpu7x:2x2x1
jax: 0.10.2.dev20260603
libtpu: 0.0.44.dev20260713+nightly
codegen_flags: <defaults>
</compile_context>

<pallas_src>
import functools

import jax
import jax.numpy as jnp
from jax import lax
from jax.experimental import pallas as pl
from jax.experimental.pallas import tpu as pltpu
from jax.experimental.pallas import tpu_sc as plsc

N_NODES = 10000
D = 128
N_EDGES = 320000
MAX_NORM = 1e6
BOUNDARY = 1.0 - 1e-5

NC = 2
NS = 16
NW = NC * NS
CH = 80
NCHUNK = N_EDGES // (NW * CH)
PACK = 16384
STRIPE = 624
TAIL = N_NODES - NS * STRIPE
ZROWS = 16


def _artanh(v):
    v = jnp.clip(v, -1.0 + 1e-7, 1.0 - 1e-7)
    return 0.5 * jnp.log((1.0 + v) / (1.0 - v))


def _rownorm(v):
    return jnp.sqrt(jnp.sum(v * v, axis=-1, keepdims=True))


def _proj(v):
    n = jnp.clip(_rownorm(v), 1e-15, None)
    return jnp.where(n > BOUNDARY, v / n * BOUNDARY, v)


def _expmap0(u):
    n = jnp.clip(_rownorm(u), 1e-15, None)
    return jnp.tanh(n) * u / n


def _logmap0(v):
    n = jnp.clip(_rownorm(v), 1e-15, None)
    return v / n * _artanh(n)


def _hyplinear_body(x_ref, w_ref, b_ref, o_ref):
    x = x_ref[...]
    w = w_ref[...]
    b = b_ref[...]
    x_norm = jnp.clip(_rownorm(x), 1e-15, None)
    mx = lax.dot_general(x, w, (((1,), (1,)), ((), ())),
                         preferred_element_type=jnp.float32)
    mx_norm = jnp.clip(_rownorm(mx), 1e-15, None)
    res_c = jnp.tanh(mx_norm / x_norm * _artanh(x_norm)) * mx / mx_norm
    cond = jnp.max(jnp.abs(mx), axis=-1, keepdims=True) == 0.0
    res = jnp.where(cond, 0.0, res_c)
    res = _proj(res)
    hb = _proj(_expmap0(b))
    x2 = jnp.sum(res * res, axis=-1, keepdims=True)
    y2 = jnp.sum(hb * hb, axis=-1, keepdims=True)
    xy = jnp.sum(res * hb, axis=-1, keepdims=True)
    num = (1.0 + 2.0 * xy + y2) * res + (1.0 - x2) * hb
    den = 1.0 + 2.0 * xy + x2 * y2
    h = _proj(num / jnp.clip(den, 1e-15, None))
    o_ref[...] = _logmap0(h)


def _hyplinear(x, W, b):
    br = 1000
    return pl.pallas_call(
        _hyplinear_body,
        grid=(N_NODES // br,),
        in_specs=[
            pl.BlockSpec((br, D), lambda i: (i, 0)),
            pl.BlockSpec((D, D), lambda i: (0, 0)),
            pl.BlockSpec((1, D), lambda i: (0, 0)),
        ],
        out_specs=pl.BlockSpec((br, D), lambda i: (i, 0)),
        out_shape=jax.ShapeDtypeStruct((N_NODES, D), jnp.float32),
    )(x, W, b.reshape(1, D))


def _post_body(p_ref, o_ref):
    s = p_ref[0] + p_ref[1]
    s = jnp.minimum(s, MAX_NORM)
    h = _proj(_expmap0(s))
    xt = jnp.minimum(jax.nn.relu(_logmap0(h)), MAX_NORM)
    o_ref[...] = _expmap0(xt)


def _post(partials):
    br = 1000
    return pl.pallas_call(
        _post_body,
        grid=(N_NODES // br,),
        in_specs=[pl.BlockSpec((2, br, D), lambda i: (0, i, 0))],
        out_specs=pl.BlockSpec((br, D), lambda i: (i, 0)),
        out_shape=jax.ShapeDtypeStruct((N_NODES, D), jnp.float32),
    )(partials)


def _sc_agg_body(pk_hbm, tang_hbm, out_hbm,
                 pk_v, src_c, dst_c, buf_v, zbuf_v, acc_sh, gsem, ssem):
    cid = lax.axis_index("c")
    sid = lax.axis_index("s")
    wid = cid * NS + sid

    pltpu.sync_copy(pk_hbm.at[wid], pk_v)

    def zrow(i, carry):
        for c16 in range(D // 16):
            zbuf_v[i, pl.ds(c16 * 16, 16)] = jnp.zeros((16,), jnp.float32)
        return carry
    lax.fori_loop(0, ZROWS, zrow, 0)
    row0 = sid * STRIPE
    for q in range(STRIPE // ZROWS):
        pltpu.sync_copy(zbuf_v, acc_sh.at[pl.ds(row0 + q * ZROWS, ZROWS)])

    @pl.when(sid == NS - 1)
    def _():
        pltpu.sync_copy(zbuf_v, acc_sh.at[pl.ds(NS * STRIPE, TAIL)])
    plsc.subcore_barrier()

    def unpack(j, s):
        for k in range(CH // 16):
            p = pk_v[j, pl.ds(k * 16, 16)]
            src_c[s, pl.ds(k * 16, 16)] = lax.shift_right_logical(p, 14)
            dst_c[s, pl.ds(k * 16, 16)] = lax.bitwise_and(p, PACK - 1)

    def g_start(j, s):
        del j
        pltpu.async_copy(tang_hbm.at[src_c.at[s]], buf_v.at[s], gsem)

    def g_wait(j, s):
        del j
        pltpu.make_async_copy(tang_hbm.at[src_c.at[s]], buf_v.at[s], gsem).wait()

    def s_start(j, s):
        del j
        pltpu.async_copy(buf_v.at[s], acc_sh.at[dst_c.at[s]], ssem, add=True)

    def s_wait(j, s):
        del j
        pltpu.make_async_copy(buf_v.at[s], acc_sh.at[dst_c.at[s]], ssem).wait()

    unpack(0, 0)
    g_start(0, 0)

    def body(j, carry):
        s = lax.rem(j, 2)
        o = 1 - s

        @pl.when(j >= 1)
        def _():
            s_wait(j - 1, o)

        @pl.when(j + 1 < NCHUNK)
        def _():
            unpack(j + 1, o)
            g_start(j + 1, o)

        g_wait(j, s)
        s_start(j, s)
        return carry

    lax.fori_loop(0, NCHUNK, body, 0)
    s_wait(NCHUNK - 1, (NCHUNK - 1) % 2)
    plsc.subcore_barrier()

    pltpu.sync_copy(acc_sh.at[pl.ds(row0, STRIPE)],
                    out_hbm.at[cid, pl.ds(row0, STRIPE)])

    @pl.when(sid == NS - 1)
    def _():
        pltpu.sync_copy(acc_sh.at[pl.ds(NS * STRIPE, TAIL)],
                        out_hbm.at[cid, pl.ds(NS * STRIPE, TAIL)])


_sc_agg = functools.partial(
    pl.kernel,
    out_type=jax.ShapeDtypeStruct((NC, N_NODES, D), jnp.float32),
    mesh=plsc.VectorSubcoreMesh(core_axis_name="c", subcore_axis_name="s"),
    scratch_types=[
        pltpu.VMEM((NCHUNK, CH), jnp.int32),
        pltpu.VMEM((2, CH), jnp.int32),
        pltpu.VMEM((2, CH), jnp.int32),
        pltpu.VMEM((2, CH, D), jnp.float32),
        pltpu.VMEM((ZROWS, D), jnp.float32),
        pltpu.VMEM_SHARED((N_NODES, D), jnp.float32),
        pltpu.SemaphoreType.DMA,
        pltpu.SemaphoreType.DMA,
    ],
)(_sc_agg_body)


def kernel(x, edge_index, W, b):
    xt = _hyplinear(x, W, b)
    ei = edge_index.astype(jnp.int32)
    packed = (ei[0] * PACK + ei[1]).reshape(NW, NCHUNK, CH)
    partials = _sc_agg(packed, xt)
    return _post(partials)

# --- scband reference (transcript-rebuilt; emitter-appended) ---
"""Pipeline reference for scband-hyperbolic-graph-convolution-89653147337382 (READ-ONLY COPY).

The authoritative reference and input builder live on the scoring server;
editing this copy changes nothing except your own understanding.
"""

import jax, jax.numpy as jnp
import numpy as np

C_IN = 1.0
C_OUT = 1.0
MAX_NORM = 1e6
N_NODES = 10000
D = 128
N_EDGES = 320000


def artanh(x):
    x = jnp.clip(x, -1.0 + 1e-7, 1.0 - 1e-7)
    return 0.5 * jnp.log((1.0 + x) / (1.0 - x))


def proj(x, c):
    norm = jnp.clip(jnp.linalg.norm(x, axis=-1, keepdims=True), 1e-15, None)
    maxnorm = (1.0 - 1e-5) / jnp.sqrt(c)
    projected = x / norm * maxnorm
    return jnp.where(norm > maxnorm, projected, x)


def proj_tan0(u, c):
    return u


def expmap0(u, c):
    sqrt_c = jnp.sqrt(c)
    u_norm = jnp.clip(jnp.linalg.norm(u, axis=-1, keepdims=True), 1e-15, None)
    return jnp.tanh(sqrt_c * u_norm) * u / (sqrt_c * u_norm)


def logmap0(x, c):
    sqrt_c = jnp.sqrt(c)
    x_norm = jnp.clip(jnp.linalg.norm(x, axis=-1, keepdims=True), 1e-15, None)
    return x / x_norm / sqrt_c * artanh(sqrt_c * x_norm)


def mobius_add(x, y, c):
    x2 = jnp.sum(x * x, axis=-1, keepdims=True)
    y2 = jnp.sum(y * y, axis=-1, keepdims=True)
    xy = jnp.sum(x * y, axis=-1, keepdims=True)
    num = (1.0 + 2.0 * c * xy + c * y2) * x + (1.0 - c * x2) * y
    denom = 1.0 + 2.0 * c * xy + c * c * x2 * y2
    return num / jnp.clip(denom, 1e-15, None)


def mobius_matvec(W, x, c):
    sqrt_c = jnp.sqrt(c)
    x_norm = jnp.clip(jnp.linalg.norm(x, axis=-1, keepdims=True), 1e-15, None)
    mx = x @ W.T
    mx_norm = jnp.clip(jnp.linalg.norm(mx, axis=-1, keepdims=True), 1e-15, None)
    res_c = jnp.tanh(mx_norm / x_norm * artanh(sqrt_c * x_norm)) * mx / (mx_norm * sqrt_c)
    cond = jnp.all(mx == 0.0, axis=-1, keepdims=True)
    return jnp.where(cond, jnp.zeros_like(res_c), res_c)


def setup_inputs(seed: int = 0) -> dict:
    key = jax.random.key(seed)
    k1, k2, k3 = jax.random.split(key, 3)
    # node features as valid points on the Poincare ball
    xt = 0.01 * jax.random.normal(k1, (N_NODES, D), dtype=jnp.float32)
    x = proj(expmap0(xt, C_IN), C_IN)
    edge_index = jax.random.randint(k2, (2, N_EDGES), 0, N_NODES, dtype=jnp.int64)
    # HypLinear params: xavier_uniform with gain sqrt(2), bias const 1e-4
    gain = float(np.sqrt(2.0))
    a = gain * float(np.sqrt(6.0 / (D + D)))
    W = jax.random.uniform(k3, (D, D), dtype=jnp.float32, minval=-a, maxval=a)
    b = jnp.full((D,), 1e-4, dtype=jnp.float32)
    return {"x": x, "edge_index": edge_index, "W": W, "b": b}


def reference(x, edge_index, W, b):
    # ---- HypLinear (dropout=0, eval) ----
    res = mobius_matvec(W, x, C_IN)
    res = proj(res, C_IN)
    bias = proj_tan0(b.reshape(1, -1), C_IN)
    hyp_bias = proj(expmap0(bias, C_IN), C_IN)
    res = mobius_add(res, hyp_bias, C_IN)
    h = proj(res, C_IN)
    # ---- HypAgg: spmm(adj, logmap0(h)) via gather + segment_sum ----
    x_tangent = logmap0(h, C_IN)
    src = edge_index[0]
    dst = edge_index[1]
    msgs = jnp.take(x_tangent, src, axis=0)
    support_t = jax.ops.segment_sum(msgs, dst, num_segments=x.shape[0])
    support_t = jnp.minimum(support_t, MAX_NORM)  # torch.clamp(max=max_norm)
    r = proj_tan0(support_t, C_IN)
    r = expmap0(r, C_IN)
    h = proj(r, C_IN)
    # ---- HypAct ----
    xt = jnp.minimum(jax.nn.relu(logmap0(h, C_IN)), MAX_NORM)
    xt = proj_tan0(xt, C_OUT)
    out = expmap0(xt, C_OUT)
    return out

if __name__ == "__main__":
    import jax
    _d = setup_inputs()
    print(jax.jit(kernel)(*tuple(_d.values())))

</pallas_src>

<mosaic_0001>
#map = affine_map<(d0, d1) -> (0, 0, 0)>
#map1 = affine_map<(d0, d1) -> (0, 0)>
module attributes {stable_mosaic.version = 14 : i64} {
  func.func @_sc_agg_body(%arg0: i32, %arg1: i32, %arg2: memref<32x125x80xi32, #tpu.memory_space<hbm>>, %arg3: memref<10000x128xf32, #tpu.memory_space<hbm>>, %arg4: memref<2x10000x128xf32, #tpu.memory_space<hbm>>, %arg5: memref<125x80xi32, #tpu.memory_space<vmem>>, %arg6: memref<2x80xi32, #tpu.memory_space<vmem>>, %arg7: memref<2x80xi32, #tpu.memory_space<vmem>>, %arg8: memref<2x80x128xf32, #tpu.memory_space<vmem>>, %arg9: memref<16x128xf32, #tpu.memory_space<vmem>>, %arg10: memref<10000x128xf32, #tpu.memory_space<vmem_shared>>, %arg11: memref<!tpu.dma_semaphore, #tpu.memory_space<semaphore_mem>>, %arg12: memref<!tpu.dma_semaphore, #tpu.memory_space<semaphore_mem>>) attributes {dimension_semantics = [#tpu.dimension_semantics<core_parallel>, #tpu.dimension_semantics<subcore_parallel>], iteration_bounds = array<i64: 2, 16>, scalar_prefetch = 0 : i64, scratch_operands = 8 : i64, tpu.core_type = #tpu.core_type<sc_vector_subcore>, window_params = [{transform_indices = #map}, {transform_indices = #map1}, {transform_indices = #map}]} {
    %mul3A = arith.constant 16 : i32
    %mul3A_0 = arith.muli %arg0, %mul3A : i32
    %add3A = arith.addi %mul3A_0, %arg1 : i32
    "tpu.region"() ({
      %run_scoped3A = tpu.sem_alloc : memref<!tpu.dma_semaphore, #tpu.memory_space<semaphore_mem>>
      %dma_start3A_233 = arith.constant 0 : i32
      %dma_start3A_234 = arith.constant 0 : i32
      %dma_start3A_235 = tpu.memref_slice %arg2[%add3A, %dma_start3A_233, %dma_start3A_234] : memref<32x125x80xi32, #tpu.memory_space<hbm>> -> memref<1x125x80xi32, #tpu.memory_space<hbm>>
      %dma_start3A_236 = tpu.memref_squeeze %dma_start3A_235 : memref<1x125x80xi32, #tpu.memory_space<hbm>> -> memref<125x80xi32, #tpu.memory_space<hbm>>
      %dma_start3A_237 = arith.constant 0 : i32
      %dma_start3A_238 = arith.constant 0 : i32
      %dma_start3A_239 = tpu.memref_slice %arg2[%add3A, %dma_start3A_237, %dma_start3A_238] : memref<32x125x80xi32, #tpu.memory_space<hbm>> -> memref<1x125x80xi32, #tpu.memory_space<hbm>>
      %dma_start3A_240 = tpu.memref_squeeze %dma_start3A_239 : memref<1x125x80xi32, #tpu.memory_space<hbm>> -> memref<125x80xi32, #tpu.memory_space<hbm>>
      tpu.enqueue_dma source(%dma_start3A_240 : memref<125x80xi32, #tpu.memory_space<hbm>>) target(%arg5 : memref<125x80xi32, #tpu.memory_space<vmem>>) target_semaphore(%run_scoped3A : memref<!tpu.dma_semaphore, #tpu.memory_space<semaphore_mem>>)
      %dma_wait3A_241 = arith.constant 0 : i32
      %dma_wait3A_242 = arith.constant 0 : i32
      %dma_wait3A_243 = tpu.memref_slice %arg2[%add3A, %dma_wait3A_241, %dma_wait3A_242] : memref<32x125x80xi32, #tpu.memory_space<hbm>> -> memref<1x125x80xi32, #tpu.memory_space<hbm>>
      %dma_wait3A_244 = tpu.memref_squeeze %dma_wait3A_243 : memref<1x125x80xi32, #tpu.memory_space<hbm>> -> memref<125x80xi32, #tpu.memory_space<hbm>>
      %dma_wait3A_245 = arith.constant 0 : i32
      %dma_wait3A_246 = arith.constant 0 : i32
      %dma_wait3A_247 = tpu.memref_slice %arg2[%add3A, %dma_wait3A_245, %dma_wait3A_246] : memref<32x125x80xi32, #tpu.memory_space<hbm>> -> memref<1x125x80xi32, #tpu.memory_space<hbm>>
      %dma_wait3A_248 = tpu.memref_squeeze %dma_wait3A_247 : memref<1x125x80xi32, #tpu.memory_space<hbm>> -> memref<125x80xi32, #tpu.memory_space<hbm>>
      tpu.wait_dma2 semaphore(%run_scoped3A : memref<!tpu.dma_semaphore, #tpu.memory_space<semaphore_mem>>) src(%dma_wait3A_248 : memref<125x80xi32, #tpu.memory_space<hbm>>) dst(%arg5 : memref<125x80xi32, #tpu.memory_space<vmem>>)
      tpu.yield
    }) : () -> ()
    %scan3A = arith.constant 0 : i32
    %scan3A_1 = arith.constant 0 : i32
    %scan3A_2 = arith.constant 16 : i32
    %scan3A_3 = arith.addi %scan3A_1, %scan3A_2 : i32
    %scan3A_4 = arith.constant 1 : i32
    scf.for %scan3A_233 = %scan3A_1 to %scan3A_3 step %scan3A_4  : i32 {
      %broadcast_in_dim3A = arith.constant 0.000000e+00 : f32
      %broadcast_in_dim3A_234 = vector.broadcast %broadcast_in_dim3A : f32 to vector<16xf32>
      %swap3A_235 = arith.index_cast %scan3A_233 : i32 to index
      %swap3A_236 = arith.constant 0 : index
      %swap3A_237 = tpu.vector_load %arg9[%swap3A_235, %swap3A_236] {strides = array<i32>} : memref<16x128xf32, #tpu.memory_space<vmem>>, vector<1x16xf32>,
      %swap3A_238 = vector.shape_cast %swap3A_237 : vector<1x16xf32> to vector<16xf32>
      %swap3A_239 = vector.shape_cast %broadcast_in_dim3A_234 : vector<16xf32> to vector<1x16xf32>
      tpu.vector_store %arg9[%swap3A_235, %swap3A_236], %swap3A_239 {strides = array<i32>} : memref<16x128xf32, #tpu.memory_space<vmem>>, vector<1x16xf32>,
      %broadcast_in_dim3A_240 = arith.constant 0.000000e+00 : f32
      %broadcast_in_dim3A_241 = vector.broadcast %broadcast_in_dim3A_240 : f32 to vector<16xf32>
      %swap3A_242 = arith.index_cast %scan3A_233 : i32 to index
      %swap3A_243 = arith.constant 16 : index
      %swap3A_244 = tpu.vector_load %arg9[%swap3A_242, %swap3A_243] {strides = array<i32>} : memref<16x128xf32, #tpu.memory_space<vmem>>, vector<1x16xf32>,
      %swap3A_245 = vector.shape_cast %swap3A_244 : vector<1x16xf32> to vector<16xf32>
      %swap3A_246 = vector.shape_cast %broadcast_in_dim3A_241 : vector<16xf32> to vector<1x16xf32>
      tpu.vector_store %arg9[%swap3A_242, %swap3A_243], %swap3A_246 {strides = array<i32>} : memref<16x128xf32, #tpu.memory_space<vmem>>, vector<1x16xf32>,
      %broadcast_in_dim3A_247 = arith.constant 0.000000e+00 : f32
      %broadcast_in_dim3A_248 = vector.broadcast %broadcast_in_dim3A_247 : f32 to vector<16xf32>
      %swap3A_249 = arith.index_cast %scan3A_233 : i32 to index
      %swap3A_250 = arith.constant 32 : index
      %swap3A_251 = tpu.vector_load %arg9[%swap3A_249, %swap3A_250] {strides = array<i32>} : memref<16x128xf32, #tpu.memory_space<vmem>>, vector<1x16xf32>,
      %swap3A_252 = vector.shape_cast %swap3A_251 : vector<1x16xf32> to vector<16xf32>
      %swap3A_253 = vector.shape_cast %broadcast_in_dim3A_248 : vector<16xf32> to vector<1x16xf32>
      tpu.vector_store %arg9[%swap3A_249, %swap3A_250], %swap3A_253 {strides = array<i32>} : memref<16x128xf32, #tpu.memory_space<vmem>>, vector<1x16xf32>,
      %broadcast_in_dim3A_254 = arith.constant 0.000000e+00 : f32
      %broadcast_in_dim3A_255 = vector.broadcast %broadcast_in_dim3A_254 : f32 to vector<16xf32>
      %swap3A_256 = arith.index_cast %scan3A_233 : i32 to index
      %swap3A_257 = arith.constant 48 : index
      %swap3A_258 = tpu.vector_load %arg9[%swap3A_256, %swap3A_257] {strides = array<i32>} : memref<16x128xf32, #tpu.memory_space<vmem>>, vector<1x16xf32>,
      %swap3A_259 = vector.shape_cast %swap3A_258 : vector<1x16xf32> to vector<16xf32>
      %swap3A_260 = vector.shape_cast %broadcast_in_dim3A_255 : vector<16xf32> to vector<1x16xf32>
      tpu.vector_store %arg9[%swap3A_256, %swap3A_257], %swap3A_260 {strides = array<i32>} : memref<16x128xf32, #tpu.memory_space<vmem>>, vector<1x16xf32>,
      %broadcast_in_dim3A_261 = arith.constant 0.000000e+00 : f32
      %broadcast_in_dim3A_262 = vector.broadcast %broadcast_in_dim3A_261 : f32 to vector<16xf32>
      %swap3A_263 = arith.index_cast %scan3A_233 : i32 to index
      %swap3A_264 = arith.constant 64 : index
      %swap3A_265 = tpu.vector_load %arg9[%swap3A_263, %swap3A_264] {strides = array<i32>} : memref<16x128xf32, #tpu.memory_space<vmem>>, vector<1x16xf32>,
      %swap3A_266 = vector.shape_cast %swap3A_265 : vector<1x16xf32> to vector<16xf32>
      %swap3A_267 = vector.shape_cast %broadcast_in_dim3A_262 : vector<16xf32> to vector<1x16xf32>
      tpu.vector_store %arg9[%swap3A_263, %swap3A_264], %swap3A_267 {strides = array<i32>} : memref<16x128xf32, #tpu.memory_space<vmem>>, vector<1x16xf32>,
      %broadcast_in_dim3A_268 = arith.constant 0.000000e+00 : f32
      %broadcast_in_dim3A_269 = vector.broadcast %broadcast_in_dim3A_268 : f32 to vector<16xf32>
      %swap3A_270 = arith.index_cast %scan3A_233 : i32 to index
      %swap3A_271 = arith.constant 80 : index
      %swap3A_272 = tpu.vector_load %arg9[%swap3A_270, %swap3A_271] {strides = array<i32>} : memref<16x128xf32, #tpu.memory_space<vmem>>, vector<1x16xf32>,
      %swap3A_273 = vector.shape_cast %swap3A_272 : vector<1x16xf32> to vector<16xf32>
      %swap3A_274 = vector.shape_cast %broadcast_in_dim3A_269 : vector<16xf32> to vector<1x16xf32>
      tpu.vector_store %arg9[%swap3A_270, %swap3A_271], %swap3A_274 {strides = array<i32>} : memref<16x128xf32, #tpu.memory_space<vmem>>, vector<1x16xf32>,
      %broadcast_in_dim3A_275 = arith.constant 0.000000e+00 : f32
      %broadcast_in_dim3A_276 = vector.broadcast %broadcast_in_dim3A_275 : f32 to vector<16xf32>
      %swap3A_277 = arith.index_cast %scan3A_233 : i32 to index
      %swap3A_278 = arith.constant 96 : index
      %swap3A_279 = tpu.vector_load %arg9[%swap3A_277, %swap3A_278] {strides = array<i32>} : memref<16x128xf32, #tpu.memory_space<vmem>>, vector<1x16xf32>,
      %swap3A_280 = vector.shape_cast %swap3A_279 : vector<1x16xf32> to vector<16xf32>
      %swap3A_281 = vector.shape_cast %broadcast_in_dim3A_276 : vector<16xf32> to vector<1x16xf32>
      tpu.vector_store %arg9[%swap3A_277, %swap3A_278], %swap3A_281 {strides = array<i32>} : memref<16x128xf32, #tpu.memory_space<vmem>>, vector<1x16xf32>,
      %broadcast_in_dim3A_282 = arith.constant 0.000000e+00 : f32
      %broadcast_in_dim3A_283 = vector.broadcast %broadcast_in_dim3A_282 : f32 to vector<16xf32>
      %swap3A_284 = arith.index_cast %scan3A_233 : i32 to index
      %swap3A_285 = arith.constant 112 : index
      %swap3A_286 = tpu.vector_load %arg9[%swap3A_284, %swap3A_285] {strides = array<i32>} : memref<16x128xf32, #tpu.memory_space<vmem>>, vector<1x16xf32>,
      %swap3A_287 = vector.shape_cast %swap3A_286 : vector<1x16xf32> to vector<16xf32>
      %swap3A_288 = vector.shape_cast %broadcast_in_dim3A_283 : vector<16xf32> to vector<1x16xf32>
      tpu.vector_store %arg9[%swap3A_284, %swap3A_285], %swap3A_288 {strides = array<i32>} : memref<16x128xf32, #tpu.memory_space<vmem>>, vector<1x16xf32>,
    }
    %scan3A_5 = arith.constant 16 : i32
    %mul3A_6 = arith.constant 624 : i32
    %mul3A_7 = arith.muli %arg1, %mul3A_6 : i32
    %add3A_8 = arith.constant 0 : i32
    %add3A_9 = arith.addi %mul3A_7, %add3A_8 : i32
    "tpu.region"() ({
      %run_scoped3A = tpu.sem_alloc : memref<!tpu.dma_semaphore, #tpu.memory_space<semaphore_mem>>
      %dma_start3A_233 = arith.constant 0 : i32
      %dma_start3A_234 = tpu.memref_slice %arg10[%add3A_9, %dma_start3A_233] : memref<10000x128xf32, #tpu.memory_space<vmem_shared>> -> memref<16x128xf32, #tpu.memory_space<vmem_shared>>
      %dma_start3A_235 = arith.constant 0 : i32
      %dma_start3A_236 = tpu.memref_slice %arg10[%add3A_9, %dma_start3A_235] : memref<10000x128xf32, #tpu.memory_space<vmem_shared>> -> memref<16x128xf32, #tpu.memory_space<vmem_shared>>
      tpu.enqueue_dma source(%arg9 : memref<16x128xf32, #tpu.memory_space<vmem>>) target(%dma_start3A_236 : memref<16x128xf32, #tpu.memory_space<vmem_shared>>) target_semaphore(%run_scoped3A : memref<!tpu.dma_semaphore, #tpu.memory_space<semaphore_mem>>)
      %dma_wait3A_237 = arith.constant 0 : i32
      %dma_wait3A_238 = tpu.memref_slice %arg10[%add3A_9, %dma_wait3A_237] : memref<10000x128xf32, #tpu.memory_space<vmem_shared>> -> memref<16x128xf32, #tpu.memory_space<vmem_shared>>
      %dma_wait3A_239 = arith.constant 0 : i32
      %dma_wait3A_240 = tpu.memref_slice %arg10[%add3A_9, %dma_wait3A_239] : memref<10000x128xf32, #tpu.memory_space<vmem_shared>> -> memref<16x128xf32, #tpu.memory_space<vmem_shared>>
      tpu.wait_dma2 semaphore(%run_scoped3A : memref<!tpu.dma_semaphore, #tpu.memory_space<semaphore_mem>>) src(%arg9 : memref<16x128xf32, #tpu.memory_space<vmem>>) dst(%dma_wait3A_240 : memref<16x128xf32, #tpu.memory_space<vmem_shared>>)
      tpu.yield
    }) : () -> ()
    %add3A_10 = arith.constant 16 : i32
    %add3A_11 = arith.addi %mul3A_7, %add3A_10 : i32
    "tpu.region"() ({
      %run_scoped3A = tpu.sem_alloc : memref<!tpu.dma_semaphore, #tpu.memory_space<semaphore_mem>>
      %dma_start3A_233 = arith.constant 0 : i32
      %dma_start3A_234 = tpu.memref_slice %arg10[%add3A_11, %dma_start3A_233] : memref<10000x128xf32, #tpu.memory_space<vmem_shared>> -> memref<16x128xf32, #tpu.memory_space<vmem_shared>>
      %dma_start3A_235 = arith.constant 0 : i32
      %dma_start3A_236 = tpu.memref_slice %arg10[%add3A_11, %dma_start3A_235] : memref<10000x128xf32, #tpu.memory_space<vmem_shared>> -> memref<16x128xf32, #tpu.memory_space<vmem_shared>>
      tpu.enqueue_dma source(%arg9 : memref<16x128xf32, #tpu.memory_space<vmem>>) target(%dma_start3A_236 : memref<16x128xf32, #tpu.memory_space<vmem_shared>>) target_semaphore(%run_scoped3A : memref<!tpu.dma_semaphore, #tpu.memory_space<semaphore_mem>>)
      %dma_wait3A_237 = arith.constant 0 : i32
      %dma_wait3A_238 = tpu.memref_slice %arg10[%add3A_11, %dma_wait3A_237] : memref<10000x128xf32, #tpu.memory_space<vmem_shared>> -> memref<16x128xf32, #tpu.memory_space<vmem_shared>>
      %dma_wait3A_239 = arith.constant 0 : i32
      %dma_wait3A_240 = tpu.memref_slice %arg10[%add3A_11, %dma_wait3A_239] : memref<10000x128xf32, #tpu.memory_space<vmem_shared>> -> memref<16x128xf32, #tpu.memory_space<vmem_shared>>
      tpu.wait_dma2 semaphore(%run_scoped3A : memref<!tpu.dma_semaphore, #tpu.memory_space<semaphore_mem>>) src(%arg9 : memref<16x128xf32, #tpu.memory_space<vmem>>) dst(%dma_wait3A_240 : memref<16x128xf32, #tpu.memory_space<vmem_shared>>)
      tpu.yield
    }) : () -> ()
    %add3A_12 = arith.constant 32 : i32
    %add3A_13 = arith.addi %mul3A_7, %add3A_12 : i32
    "tpu.region"() ({
      %run_scoped3A = tpu.sem_alloc : memref<!tpu.dma_semaphore, #tpu.memory_space<semaphore_mem>>
      %dma_start3A_233 = arith.constant 0 : i32
      %dma_start3A_234 = tpu.memref_slice %arg10[%add3A_13, %dma_start3A_233] : memref<10000x128xf32, #tpu.memory_space<vmem_shared>> -> memref<16x128xf32, #tpu.memory_space<vmem_shared>>
      %dma_start3A_235 = arith.constant 0 : i32
      %dma_start3A_236 = tpu.memref_slice %arg10[%add3A_13, %dma_start3A_235] : memref<10000x128xf32, #tpu.memory_space<vmem_shared>> -> memref<16x128xf32, #tpu.memory_space<vmem_shared>>
      tpu.enqueue_dma source(%arg9 : memref<16x128xf32, #tpu.memory_space<vmem>>) target(%dma_start3A_236 : memref<16x128xf32, #tpu.memory_space<vmem_shared>>) target_semaphore(%run_scoped3A : memref<!tpu.dma_semaphore, #tpu.memory_space<semaphore_mem>>)
      %dma_wait3A_237 = arith.constant 0 : i32
      %dma_wait3A_238 = tpu.memref_slice %arg10[%add3A_13, %dma_wait3A_237] : memref<10000x128xf32, #tpu.memory_space<vmem_shared>> -> memref<16x128xf32, #tpu.memory_space<vmem_shared>>
      %dma_wait3A_239 = arith.constant 0 : i32
      %dma_wait3A_240 = tpu.memref_slice %arg10[%add3A_13, %dma_wait3A_239] : memref<10000x128xf32, #tpu.memory_space<vmem_shared>> -> memref<16x128xf32, #tpu.memory_space<vmem_shared>>
      tpu.wait_dma2 semaphore(%run_scoped3A : memref<!tpu.dma_semaphore, #tpu.memory_space<semaphore_mem>>) src(%arg9 : memref<16x128xf32, #tpu.memory_space<vmem>>) dst(%dma_wait3A_240 : memref<16x128xf32, #tpu.memory_space<vmem_shared>>)
      tpu.yield
    }) : () -> ()
    %add3A_14 = arith.constant 48 : i32
    %add3A_15 = arith.addi %mul3A_7, %add3A_14 : i32
    "tpu.region"() ({
      %run_scoped3A = tpu.sem_alloc : memref<!tpu.dma_semaphore, #tpu.memory_space<semaphore_mem>>
      %dma_start3A_233 = arith.constant 0 : i32
      %dma_start3A_234 = tpu.memref_slice %arg10[%add3A_15, %dma_start3A_233] : memref<10000x128xf32, #tpu.memory_space<vmem_shared>> -> memref<16x128xf32, #tpu.memory_space<vmem_shared>>
      %dma_start3A_235 = arith.constant 0 : i32
      %dma_start3A_236 = tpu.memref_slice %arg10[%add3A_15, %dma_start3A_235] : memref<10000x128xf32, #tpu.memory_space<vmem_shared>> -> memref<16x128xf32, #tpu.memory_space<vmem_shared>>
      tpu.enqueue_dma source(%arg9 : memref<16x128xf32, #tpu.memory_space<vmem>>) target(%dma_start3A_236 : memref<16x128xf32, #tpu.memory_space<vmem_shared>>) target_semaphore(%run_scoped3A : memref<!tpu.dma_semaphore, #tpu.memory_space<semaphore_mem>>)
      %dma_wait3A_237 = arith.constant 0 : i32
      %dma_wait3A_238 = tpu.memref_slice %arg10[%add3A_15, %dma_wait3A_237] : memref<10000x128xf32, #tpu.memory_space<vmem_shared>> -> memref<16x128xf32, #tpu.memory_space<vmem_shared>>
      %dma_wait3A_239 = arith.constant 0 : i32
      %dma_wait3A_240 = tpu.memref_slice %arg10[%add3A_15, %dma_wait3A_239] : memref<10000x128xf32, #tpu.memory_space<vmem_shared>> -> memref<16x128xf32, #tpu.memory_space<vmem_shared>>
      tpu.wait_dma2 semaphore(%run_scoped3A : memref<!tpu.dma_semaphore, #tpu.memory_space<semaphore_mem>>) src(%arg9 : memref<16x128xf32, #tpu.memory_space<vmem>>) dst(%dma_wait3A_240 : memref<16x128xf32, #tpu.memory_space<vmem_shared>>)
      tpu.yield
    }) : () -> ()
    %add3A_16 = arith.constant 64 : i32
    %add3A_17 = arith.addi %mul3A_7, %add3A_16 : i32
    "tpu.region"() ({
      %run_scoped3A = tpu.sem_alloc : memref<!tpu.dma_semaphore, #tpu.memory_space<semaphore_mem>>
      %dma_start3A_233 = arith.constant 0 : i32
      %dma_start3A_234 = tpu.memref_slice %arg10[%add3A_17, %dma_start3A_233] : memref<10000x128xf32, #tpu.memory_space<vmem_shared>> -> memref<16x128xf32, #tpu.memory_space<vmem_shared>>
      %dma_start3A_235 = arith.constant 0 : i32
      %dma_start3A_236 = tpu.memref_slice %arg10[%add3A_17, %dma_start3A_235] : memref<10000x128xf32, #tpu.memory_space<vmem_shared>> -> memref<16x128xf32, #tpu.memory_space<vmem_shared>>
      tpu.enqueue_dma source(%arg9 : memref<16x128xf32, #tpu.memory_space<vmem>>) target(%dma_start3A_236 : memref<16x128xf32, #tpu.memory_space<vmem_shared>>) target_semaphore(%run_scoped3A : memref<!tpu.dma_semaphore, #tpu.memory_space<semaphore_mem>>)
      %dma_wait3A_237 = arith.constant 0 : i32
      %dma_wait3A_238 = tpu.memref_slice %arg10[%add3A_17, %dma_wait3A_237] : memref<10000x128xf32, #tpu.memory_space<vmem_shared>> -> memref<16x128xf32, #tpu.memory_space<vmem_shared>>
      %dma_wait3A_239 = arith.constant 0 : i32
      %dma_wait3A_240 = tpu.memref_slice %arg10[%add3A_17, %dma_wait3A_239] : memref<10000x128xf32, #tpu.memory_space<vmem_shared>> -> memref<16x128xf32, #tpu.memory_space<vmem_shared>>
      tpu.wait_dma2 semaphore(%run_scoped3A : memref<!tpu.dma_semaphore, #tpu.memory_space<semaphore_mem>>) src(%arg9 : memref<16x128xf32, #tpu.memory_space<vmem>>) dst(%dma_wait3A_240 : memref<16x128xf32, #tpu.memory_space<vmem_shared>>)
      tpu.yield
    }) : () -> ()
    %add3A_18 = arith.constant 80 : i32
    %add3A_19 = arith.addi %mul3A_7, %add3A_18 : i32
    "tpu.region"() ({
      %run_scoped3A = tpu.sem_alloc : memref<!tpu.dma_semaphore, #tpu.memory_space<semaphore_mem>>
      %dma_start3A_233 = arith.constant 0 : i32
      %dma_start3A_234 = tpu.memref_slice %arg10[%add3A_19, %dma_start3A_233] : memref<10000x128xf32, #tpu.memory_space<vmem_shared>> -> memref<16x128xf32, #tpu.memory_space<vmem_shared>>
      %dma_start3A_235 = arith.constant 0 : i32
      %dma_start3A_236 = tpu.memref_slice %arg10[%add3A_19, %dma_start3A_235] : memref<10000x128xf32, #tpu.memory_space<vmem_shared>> -> memref<16x128xf32, #tpu.memory_space<vmem_shared>>
      tpu.enqueue_dma source(%arg9 : memref<16x128xf32, #tpu.memory_space<vmem>>) target(%dma_start3A_236 : memref<16x128xf32, #tpu.memory_space<vmem_shared>>) target_semaphore(%run_scoped3A : memref<!tpu.dma_semaphore, #tpu.memory_space<semaphore_mem>>)
      %dma_wait3A_237 = arith.constant 0 : i32
      %dma_wait3A_238 = tpu.memref_slice %arg10[%add3A_19, %dma_wait3A_237] : memref<10000x128xf32, #tpu.memory_space<vmem_shared>> -> memref<16x128xf32, #tpu.memory_space<vmem_shared>>
      %dma_wait3A_239 = arith.constant 0 : i32
      %dma_wait3A_240 = tpu.memref_slice %arg10[%add3A_19, %dma_wait3A_239] : memref<10000x128xf32, #tpu.memory_space<vmem_shared>> -> memref<16x128xf32, #tpu.memory_space<vmem_shared>>
      tpu.wait_dma2 semaphore(%run_scoped3A : memref<!tpu.dma_semaphore, #tpu.memory_space<semaphore_mem>>) src(%arg9 : memref<16x128xf32, #tpu.memory_space<vmem>>) dst(%dma_wait3A_240 : memref<16x128xf32, #tpu.memory_space<vmem_shared>>)
      tpu.yield
    }) : () -> ()
    %add3A_20 = arith.constant 96 : i32
    %add3A_21 = arith.addi %mul3A_7, %add3A_20 : i32
    "tpu.region"() ({
      %run_scoped3A = tpu.sem_alloc : memref<!tpu.dma_semaphore, #tpu.memory_space<semaphore_mem>>
      %dma_start3A_233 = arith.constant 0 : i32
      %dma_start3A_234 = tpu.memref_slice %arg10[%add3A_21, %dma_start3A_233] : memref<10000x128xf32, #tpu.memory_space<vmem_shared>> -> memref<16x128xf32, #tpu.memory_space<vmem_shared>>
      %dma_start3A_235 = arith.constant 0 : i32
      %dma_start3A_236 = tpu.memref_slice %arg10[%add3A_21, %dma_start3A_235] : memref<10000x128xf32, #tpu.memory_space<vmem_shared>> -> memref<16x128xf32, #tpu.memory_space<vmem_shared>>
      tpu.enqueue_dma source(%arg9 : memref<16x128xf32, #tpu.memory_space<vmem>>) target(%dma_start3A_236 : memref<16x128xf32, #tpu.memory_space<vmem_shared>>) target_semaphore(%run_scoped3A : memref<!tpu.dma_semaphore, #tpu.memory_space<semaphore_mem>>)
      %dma_wait3A_237 = arith.constant 0 : i32
      %dma_wait3A_238 = tpu.memref_slice %arg10[%add3A_21, %dma_wait3A_237] : memref<10000x128xf32, #tpu.memory_space<vmem_shared>> -> memref<16x128xf32, #tpu.memory_space<vmem_shared>>
      %dma_wait3A_239 = arith.constant 0 : i32
      %dma_wait3A_240 = tpu.memref_slice %arg10[%add3A_21, %dma_wait3A_239] : memref<10000x128xf32, #tpu.memory_space<vmem_shared>> -> memref<16x128xf32, #tpu.memory_space<vmem_shared>>
      tpu.wait_dma2 semaphore(%run_scoped3A : memref<!tpu.dma_semaphore, #tpu.memory_space<semaphore_mem>>) src(%arg9 : memref<16x128xf32, #tpu.memory_space<vmem>>) dst(%dma_wait3A_240 : memref<16x128xf32, #tpu.memory_space<vmem_shared>>)
      tpu.yield
    }) : () -> ()
    %add3A_22 = arith.constant 112 : i32
    %add3A_23 = arith.addi %mul3A_7, %add3A_22 : i32
    "tpu.region"() ({
      %run_scoped3A = tpu.sem_alloc : memref<!tpu.dma_semaphore, #tpu.memory_space<semaphore_mem>>
      %dma_start3A_233 = arith.constant 0 : i32
      %dma_start3A_234 = tpu.memref_slice %arg10[%add3A_23, %dma_start3A_233] : memref<10000x128xf32, #tpu.memory_space<vmem_shared>> -> memref<16x128xf32, #tpu.memory_space<vmem_shared>>
      %dma_start3A_235 = arith.constant 0 : i32
      %dma_start3A_236 = tpu.memref_slice %arg10[%add3A_23, %dma_start3A_235] : memref<10000x128xf32, #tpu.memory_space<vmem_shared>> -> memref<16x128xf32, #tpu.memory_space<vmem_shared>>
      tpu.enqueue_dma source(%arg9 : memref<16x128xf32, #tpu.memory_space<vmem>>) target(%dma_start3A_236 : memref<16x128xf32, #tpu.memory_space<vmem_shared>>) target_semaphore(%run_scoped3A : memref<!tpu.dma_semaphore, #tpu.memory_space<semaphore_mem>>)
      %dma_wait3A_237 = arith.constant 0 : i32
      %dma_wait3A_238 = tpu.memref_slice %arg10[%add3A_23, %dma_wait3A_237] : memref<10000x128xf32, #tpu.memory_space<vmem_shared>> -> memref<16x128xf32, #tpu.memory_space<vmem_shared>>
      %dma_wait3A_239 = arith.constant 0 : i32
      %dma_wait3A_240 = tpu.memref_slice %arg10[%add3A_23, %dma_wait3A_239] : memref<10000x128xf32, #tpu.memory_space<vmem_shared>> -> memref<16x128xf32, #tpu.memory_space<vmem_shared>>
      tpu.wait_dma2 semaphore(%run_scoped3A : memref<!tpu.dma_semaphore, #tpu.memory_space<semaphore_mem>>) src(%arg9 : memref<16x128xf32, #tpu.memory_space<vmem>>) dst(%dma_wait3A_240 : memref<16x128xf32, #tpu.memory_space<vmem_shared>>)
      tpu.yield
    }) : () -> ()
    %add3A_24 = arith.constant 128 : i32
    %add3A_25 = arith.addi %mul3A_7, %add3A_24 : i32
    "tpu.region"() ({
      %run_scoped3A = tpu.sem_alloc : memref<!tpu.dma_semaphore, #tpu.memory_space<semaphore_mem>>
      %dma_start3A_233 = arith.constant 0 : i32
      %dma_start3A_234 = tpu.memref_slice %arg10[%add3A_25, %dma_start3A_233] : memref<10000x128xf32, #tpu.memory_space<vmem_shared>> -> memref<16x128xf32, #tpu.memory_space<vmem_shared>>
      %dma_start3A_235 = arith.constant 0 : i32
      %dma_start3A_236 = tpu.memref_slice %arg10[%add3A_25, %dma_start3A_235] : memref<10000x128xf32, #tpu.memory_space<vmem_shared>> -> memref<16x128xf32, #tpu.memory_space<vmem_shared>>
      tpu.enqueue_dma source(%arg9 : memref<16x128xf32, #tpu.memory_space<vmem>>) target(%dma_start3A_236 : memref<16x128xf32, #tpu.memory_space<vmem_shared>>) target_semaphore(%run_scoped3A : memref<!tpu.dma_semaphore, #tpu.memory_space<semaphore_mem>>)
      %dma_wait3A_237 = arith.constant 0 : i32
      %dma_wait3A_238 = tpu.memref_slice %arg10[%add3A_25, %dma_wait3A_237] : memref<10000x128xf32, #tpu.memory_space<vmem_shared>> -> memref<16x128xf32, #tpu.memory_space<vmem_shared>>
      %dma_wait3A_239 = arith.constant 0 : i32
      %dma_wait3A_240 = tpu.memref_slice %arg10[%add3A_25, %dma_wait3A_239] : memref<10000x128xf32, #tpu.memory_space<vmem_shared>> -> memref<16x128xf32, #tpu.memory_space<vmem_shared>>
      tpu.wait_dma2 semaphore(%run_scoped3A : memref<!tpu.dma_semaphore, #tpu.memory_space<semaphore_mem>>) src(%arg9 : memref<16x128xf32, #tpu.memory_space<vmem>>) dst(%dma_wait3A_240 : memref<16x128xf32, #tpu.memory_space<vmem_shared>>)
      tpu.yield
    }) : () -> ()
    %add3A_26 = arith.constant 144 : i32
    %add3A_27 = arith.addi %mul3A_7, %add3A_26 : i32
    "tpu.region"() ({
      %run_scoped3A = tpu.sem_alloc : memref<!tpu.dma_semaphore, #tpu.memory_space<semaphore_mem>>
      %dma_start3A_233 = arith.constant 0 : i32
      %dma_start3A_234 = tpu.memref_slice %arg10[%add3A_27, %dma_start3A_233] : memref<10000x128xf32, #tpu.memory_space<vmem_shared>> -> memref<16x128xf32, #tpu.memory_space<vmem_shared>>
      %dma_start3A_235 = arith.constant 0 : i32
      %dma_start3A_236 = tpu.memref_slice %arg10[%add3A_27, %dma_start3A_235] : memref<10000x128xf32, #tpu.memory_space<vmem_shared>> -> memref<16x128xf32, #tpu.memory_space<vmem_shared>>
      tpu.enqueue_dma source(%arg9 : memref<16x128xf32, #tpu.memory_space<vmem>>) target(%dma_start3A_236 : memref<16x128xf32, #tpu.memory_space<vmem_shared>>) target_semaphore(%run_scoped3A : memref<!tpu.dma_semaphore, #tpu.memory_space<semaphore_mem>>)
      %dma_wait3A_237 = arith.constant 0 : i32
      %dma_wait3A_238 = tpu.memref_slice %arg10[%add3A_27, %dma_wait3A_237] : memref<10000x128xf32, #tpu.memory_space<vmem_shared>> -> memref<16x128xf32, #tpu.memory_space<vmem_shared>>
      %dma_wait3A_239 = arith.constant 0 : i32
      %dma_wait3A_240 = tpu.memref_slice %arg10[%add3A_27, %dma_wait3A_239] : memref<10000x128xf32, #tpu.memory_space<vmem_shared>> -> memref<16x128xf32, #tpu.memory_space<vmem_shared>>
      tpu.wait_dma2 semaphore(%run_scoped3A : memref<!tpu.dma_semaphore, #tpu.memory_space<semaphore_mem>>) src(%arg9 : memref<16x128xf32, #tpu.memory_space<vmem>>) dst(%dma_wait3A_240 : memref<16x128xf32, #tpu.memory_space<vmem_shared>>)
      tpu.yield
    }) : () -> ()
    %add3A_28 = arith.constant 160 : i32
    %add3A_29 = arith.addi %mul3A_7, %add3A_28 : i32
    "tpu.region"() ({
      %run_scoped3A = tpu.sem_alloc : memref<!tpu.dma_semaphore, #tpu.memory_space<semaphore_mem>>
      %dma_start3A_233 = arith.constant 0 : i32
      %dma_start3A_234 = tpu.memref_slice %arg10[%add3A_29, %dma_start3A_233] : memref<10000x128xf32, #tpu.memory_space<vmem_shared>> -> memref<16x128xf32, #tpu.memory_space<vmem_shared>>
      %dma_start3A_235 = arith.constant 0 : i32
      %dma_start3A_236 = tpu.memref_slice %arg10[%add3A_29, %dma_start3A_235] : memref<10000x128xf32, #tpu.memory_space<vmem_shared>> -> memref<16x128xf32, #tpu.memory_space<vmem_shared>>
      tpu.enqueue_dma source(%arg9 : memref<16x128xf32, #tpu.memory_space<vmem>>) target(%dma_start3A_236 : memref<16x128xf32, #tpu.memory_space<vmem_shared>>) target_semaphore(%run_scoped3A : memref<!tpu.dma_semaphore, #tpu.memory_space<semaphore_mem>>)
      %dma_wait3A_237 = arith.constant 0 : i32
      %dma_wait3A_238 = tpu.memref_slice %arg10[%add3A_29, %dma_wait3A_237] : memref<10000x128xf32, #tpu.memory_space<vmem_shared>> -> memref<16x128xf32, #tpu.memory_space<vmem_shared>>
      %dma_wait3A_239 = arith.constant 0 : i32
      %dma_wait3A_240 = tpu.memref_slice %arg10[%add3A_29, %dma_wait3A_239] : memref<10000x128xf32, #tpu.memory_space<vmem_shared>> -> memref<16x128xf32, #tpu.memory_space<vmem_shared>>
      tpu.wait_dma2 semaphore(%run_scoped3A : memref<!tpu.dma_semaphore, #tpu.memory_space<semaphore_mem>>) src(%arg9 : memref<16x128xf32, #tpu.memory_space<vmem>>) dst(%dma_wait3A_240 : memref<16x128xf32, #tpu.memory_space<vmem_shared>>)
      tpu.yield
    }) : () -> ()
    %add3A_30 = arith.constant 176 : i32
    %add3A_31 = arith.addi %mul3A_7, %add3A_30 : i32
    "tpu.region"() ({
      %run_scoped3A = tpu.sem_alloc : memref<!tpu.dma_semaphore, #tpu.memory_space<semaphore_mem>>
      %dma_start3A_233 = arith.constant 0 : i32
      %dma_start3A_234 = tpu.memref_slice %arg10[%add3A_31, %dma_start3A_233] : memref<10000x128xf32, #tpu.memory_space<vmem_shared>> -> memref<16x128xf32, #tpu.memory_space<vmem_shared>>
      %dma_start3A_235 = arith.constant 0 : i32
      %dma_start3A_236 = tpu.memref_slice %arg10[%add3A_31, %dma_start3A_235] : memref<10000x128xf32, #tpu.memory_space<vmem_shared>> -> memref<16x128xf32, #tpu.memory_space<vmem_shared>>
      tpu.enqueue_dma source(%arg9 : memref<16x128xf32, #tpu.memory_space<vmem>>) target(%dma_start3A_236 : memref<16x128xf32, #tpu.memory_space<vmem_shared>>) target_semaphore(%run_scoped3A : memref<!tpu.dma_semaphore, #tpu.memory_space<semaphore_mem>>)
      %dma_wait3A_237 = arith.constant 0 : i32
      %dma_wait3A_238 = tpu.memref_slice %arg10[%add3A_31, %dma_wait3A_237] : memref<10000x128xf32, #tpu.memory_space<vmem_shared>> -> memref<16x128xf32, #tpu.memory_space<vmem_shared>>
      %dma_wait3A_239 = arith.constant 0 : i32
      %dma_wait3A_240 = tpu.memref_slice %arg10[%add3A_31, %dma_wait3A_239] : memref<10000x128xf32, #tpu.memory_space<vmem_shared>> -> memref<16x128xf32, #tpu.memory_space<vmem_shared>>
      tpu.wait_dma2 semaphore(%run_scoped3A : memref<!tpu.dma_semaphore, #tpu.memory_space<semaphore_mem>>) src(%arg9 : memref<16x128xf32, #tpu.memory_space<vmem>>) dst(%dma_wait3A_240 : memref<16x128xf32, #tpu.memory_space<vmem_shared>>)
      tpu.yield
    }) : () -> ()
    %add3A_32 = arith.constant 192 : i32
    %add3A_33 = arith.addi %mul3A_7, %add3A_32 : i32
    "tpu.region"() ({
      %run_scoped3A = tpu.sem_alloc : memref<!tpu.dma_semaphore, #tpu.memory_space<semaphore_mem>>
      %dma_start3A_233 = arith.constant 0 : i32
      %dma_start3A_234 = tpu.memref_slice %arg10[%add3A_33, %dma_start3A_233] : memref<10000x128xf32, #tpu.memory_space<vmem_shared>> -> memref<16x128xf32, #tpu.memory_space<vmem_shared>>
      %dma_start3A_235 = arith.constant 0 : i32
      %dma_start3A_236 = tpu.memref_slice %arg10[%add3A_33, %dma_start3A_235] : memref<10000x128xf32, #tpu.memory_space<vmem_shared>> -> memref<16x128xf32, #tpu.memory_space<vmem_shared>>
      tpu.enqueue_dma source(%arg9 : memref<16x128xf32, #tpu.memory_space<vmem>>) target(%dma_start3A_236 : memref<16x128xf32, #tpu.memory_space<vmem_shared>>) target_semaphore(%run_scoped3A : memref<!tpu.dma_semaphore, #tpu.memory_space<semaphore_mem>>)
      %dma_wait3A_237 = arith.constant 0 : i32
      %dma_wait3A_238 = tpu.memref_slice %arg10[%add3A_33, %dma_wait3A_237] : memref<10000x128xf32, #tpu.memory_space<vmem_shared>> -> memref<16x128xf32, #tpu.memory_space<vmem_shared>>
      %dma_wait3A_239 = arith.constant 0 : i32
      %dma_wait3A_240 = tpu.memref_slice %arg10[%add3A_33, %dma_wait3A_239] : memref<10000x128xf32, #tpu.memory_space<vmem_shared>> -> memref<16x128xf32, #tpu.memory_space<vmem_shared>>
      tpu.wait_dma2 semaphore(%run_scoped3A : memref<!tpu.dma_semaphore, #tpu.memory_space<semaphore_mem>>) src(%arg9 : memref<16x128xf32, #tpu.memory_space<vmem>>) dst(%dma_wait3A_240 : memref<16x128xf32, #tpu.memory_space<vmem_shared>>)
      tpu.yield
    }) : () -> ()
    %add3A_34 = arith.constant 208 : i32
    %add3A_35 = arith.addi %mul3A_7, %add3A_34 : i32
    "tpu.region"() ({
      %run_scoped3A = tpu.sem_alloc : memref<!tpu.dma_semaphore, #tpu.memory_space<semaphore_mem>>
      %dma_start3A_233 = arith.constant 0 : i32
      %dma_start3A_234 = tpu.memref_slice %arg10[%add3A_35, %dma_start3A_233] : memref<10000x128xf32, #tpu.memory_space<vmem_shared>> -> memref<16x128xf32, #tpu.memory_space<vmem_shared>>
      %dma_start3A_235 = arith.constant 0 : i32
      %dma_start3A_236 = tpu.memref_slice %arg10[%add3A_35, %dma_start3A_235] : memref<10000x128xf32, #tpu.memory_space<vmem_shared>> -> memref<16x128xf32, #tpu.memory_space<vmem_shared>>
      tpu.enqueue_dma source(%arg9 : memref<16x128xf32, #tpu.memory_space<vmem>>) target(%dma_start3A_236 : memref<16x128xf32, #tpu.memory_space<vmem_shared>>) target_semaphore(%run_scoped3A : memref<!tpu.dma_semaphore, #tpu.memory_space<semaphore_mem>>)
      %dma_wait3A_237 = arith.constant 0 : i32
      %dma_wait3A_238 = tpu.memref_slice %arg10[%add3A_35, %dma_wait3A_237] : memref<10000x128xf32, #tpu.memory_space<vmem_shared>> -> memref<16x128xf32, #tpu.memory_space<vmem_shared>>
      %dma_wait3A_239 = arith.constant 0 : i32
      %dma_wait3A_240 = tpu.memref_slice %arg10[%add3A_35, %dma_wait3A_239] : memref<10000x128xf32, #tpu.memory_space<vmem_shared>> -> memref<16x128xf32, #tpu.memory_space<vmem_shared>>
      tpu.wait_dma2 semaphore(%run_scoped3A : memref<!tpu.dma_semaphore, #tpu.memory_space<semaphore_mem>>) src(%arg9 : memref<16x128xf32, #tpu.memory_space<vmem>>) dst(%dma_wait3A_240 : memref<16x128xf32, #tpu.memory_space<vmem_shared>>)
      tpu.yield
    }) : () -> ()
    %add3A_36 = arith.constant 224 : i32
    %add3A_37 = arith.addi %mul3A_7, %add3A_36 : i32
    "tpu.region"() ({
      %run_scoped3A = tpu.sem_alloc : memref<!tpu.dma_semaphore, #tpu.memory_space<semaphore_mem>>
      %dma_start3A_233 = arith.constant 0 : i32
      %dma_start3A_234 = tpu.memref_slice %arg10[%add3A_37, %dma_start3A_233] : memref<10000x128xf32, #tpu.memory_space<vmem_shared>> -> memref<16x128xf32, #tpu.memory_space<vmem_shared>>
      %dma_start3A_235 = arith.constant 0 : i32
      %dma_start3A_236 = tpu.memref_slice %arg10[%add3A_37, %dma_start3A_235] : memref<10000x128xf32, #tpu.memory_space<vmem_shared>> -> memref<16x128xf32, #tpu.memory_space<vmem_shared>>
      tpu.enqueue_dma source(%arg9 : memref<16x128xf32, #tpu.memory_space<vmem>>) target(%dma_start3A_236 : memref<16x128xf32, #tpu.memory_space<vmem_shared>>) target_semaphore(%run_scoped3A : memref<!tpu.dma_semaphore, #tpu.memory_space<semaphore_mem>>)
      %dma_wait3A_237 = arith.constant 0 : i32
      %dma_wait3A_238 = tpu.memref_slice %arg10[%add3A_37, %dma_wait3A_237] : memref<10000x128xf32, #tpu.memory_space<vmem_shared>> -> memref<16x128xf32, #tpu.memory_space<vmem_shared>>
      %dma_wait3A_239 = arith.constant 0 : i32
      %dma_wait3A_240 = tpu.memref_slice %arg10[%add3A_37, %dma_wait3A_239] : memref<10000x128xf32, #tpu.memory_space<vmem_shared>> -> memref<16x128xf32, #tpu.memory_space<vmem_shared>>
      tpu.wait_dma2 semaphore(%run_scoped3A : memref<!tpu.dma_semaphore, #tpu.memory_space<semaphore_mem>>) src(%arg9 : memref<16x128xf32, #tpu.memory_space<vmem>>) dst(%dma_wait3A_240 : memref<16x128xf32, #tpu.memory_space<vmem_shared>>)
      tpu.yield
    }) : () -> ()
    %add3A_38 = arith.constant 240 : i32
    %add3A_39 = arith.addi %mul3A_7, %add3A_38 : i32
    "tpu.region"() ({
      %run_scoped3A = tpu.sem_alloc : memref<!tpu.dma_semaphore, #tpu.memory_space<semaphore_mem>>
      %dma_start3A_233 = arith.constant 0 : i32
      %dma_start3A_234 = tpu.memref_slice %arg10[%add3A_39, %dma_start3A_233] : memref<10000x128xf32, #tpu.memory_space<vmem_shared>> -> memref<16x128xf32, #tpu.memory_space<vmem_shared>>
      %dma_start3A_235 = arith.constant 0 : i32
      %dma_start3A_236 = tpu.memref_slice %arg10[%add3A_39, %dma_start3A_235] : memref<10000x128xf32, #tpu.memory_space<vmem_shared>> -> memref<16x128xf32, #tpu.memory_space<vmem_shared>>
      tpu.enqueue_dma source(%arg9 : memref<16x128xf32, #tpu.memory_space<vmem>>) target(%dma_start3A_236 : memref<16x128xf32, #tpu.memory_space<vmem_shared>>) target_semaphore(%run_scoped3A : memref<!tpu.dma_semaphore, #tpu.memory_space<semaphore_mem>>)
      %dma_wait3A_237 = arith.constant 0 : i32
      %dma_wait3A_238 = tpu.memref_slice %arg10[%add3A_39, %dma_wait3A_237] : memref<10000x128xf32, #tpu.memory_space<vmem_shared>> -> memref<16x128xf32, #tpu.memory_space<vmem_shared>>
      %dma_wait3A_239 = arith.constant 0 : i32
      %dma_wait3A_240 = tpu.memref_slice %arg10[%add3A_39, %dma_wait3A_239] : memref<10000x128xf32, #tpu.memory_space<vmem_shared>> -> memref<16x128xf32, #tpu.memory_space<vmem_shared>>
      tpu.wait_dma2 semaphore(%run_scoped3A : memref<!tpu.dma_semaphore, #tpu.memory_space<semaphore_mem>>) src(%arg9 : memref<16x128xf32, #tpu.memory_space<vmem>>) dst(%dma_wait3A_240 : memref<16x128xf32, #tpu.memory_space<vmem_shared>>)
      tpu.yield
    }) : () -> ()
    %add3A_40 = arith.constant 256 : i32
    %add3A_41 = arith.addi %mul3A_7, %add3A_40 : i32
    "tpu.region"() ({
      %run_scoped3A = tpu.sem_alloc : memref<!tpu.dma_semaphore, #tpu.memory_space<semaphore_mem>>
      %dma_start3A_233 = arith.constant 0 : i32
      %dma_start3A_234 = tpu.memref_slice %arg10[%add3A_41, %dma_start3A_233] : memref<10000x128xf32, #tpu.memory_space<vmem_shared>> -> memref<16x128xf32, #tpu.memory_space<vmem_shared>>
      %dma_start3A_235 = arith.constant 0 : i32
      %dma_start3A_236 = tpu.memref_slice %arg10[%add3A_41, %dma_start3A_235] : memref<10000x128xf32, #tpu.memory_space<vmem_shared>> -> memref<16x128xf32, #tpu.memory_space<vmem_shared>>
      tpu.enqueue_dma source(%arg9 : memref<16x128xf32, #tpu.memory_space<vmem>>) target(%dma_start3A_236 : memref<16x128xf32, #tpu.memory_space<vmem_shared>>) target_semaphore(%run_scoped3A : memref<!tpu.dma_semaphore, #tpu.memory_space<semaphore_mem>>)
      %dma_wait3A_237 = arith.constant 0 : i32
      %dma_wait3A_238 = tpu.memref_slice %arg10[%add3A_41, %dma_wait3A_237] : memref<10000x128xf32, #tpu.memory_space<vmem_shared>> -> memref<16x128xf32, #tpu.memory_space<vmem_shared>>
      %dma_wait3A_239 = arith.constant 0 : i32
      %dma_wait3A_240 = tpu.memref_slice %arg10[%add3A_41, %dma_wait3A_239] : memref<10000x128xf32, #tpu.memory_space<vmem_shared>> -> memref<16x128xf32, #tpu.memory_space<vmem_shared>>
      tpu.wait_dma2 semaphore(%run_scoped3A : memref<!tpu.dma_semaphore, #tpu.memory_space<semaphore_mem>>) src(%arg9 : memref<16x128xf32, #tpu.memory_space<vmem>>) dst(%dma_wait3A_240 : memref<16x128xf32, #tpu.memory_space<vmem_shared>>)
      tpu.yield
    }) : () -> ()
    %add3A_42 = arith.constant 272 : i32
    %add3A_43 = arith.addi %mul3A_7, %add3A_42 : i32
    "tpu.region"() ({
      %run_scoped3A = tpu.sem_alloc : memref<!tpu.dma_semaphore, #tpu.memory_space<semaphore_mem>>
      %dma_start3A_233 = arith.constant 0 : i32
      %dma_start3A_234 = tpu.memref_slice %arg10[%add3A_43, %dma_start3A_233] : memref<10000x128xf32, #tpu.memory_space<vmem_shared>> -> memref<16x128xf32, #tpu.memory_space<vmem_shared>>
      %dma_start3A_235 = arith.constant 0 : i32
      %dma_start3A_236 = tpu.memref_slice %arg10[%add3A_43, %dma_start3A_235] : memref<10000x128xf32, #tpu.memory_space<vmem_shared>> -> memref<16x128xf32, #tpu.memory_space<vmem_shared>>
      tpu.enqueue_dma source(%arg9 : memref<16x128xf32, #tpu.memory_space<vmem>>) target(%dma_start3A_236 : memref<16x128xf32, #tpu.memory_space<vmem_shared>>) target_semaphore(%run_scoped3A : memref<!tpu.dma_semaphore, #tpu.memory_space<semaphore_mem>>)
      %dma_wait3A_237 = arith.constant 0 : i32
      %dma_wait3A_238 = tpu.memref_slice %arg10[%add3A_43, %dma_wait3A_237] : memref<10000x128xf32, #tpu.memory_space<vmem_shared>> -> memref<16x128xf32, #tpu.memory_space<vmem_shared>>
      %dma_wait3A_239 = arith.constant 0 : i32
      %dma_wait3A_240 = tpu.memref_slice %arg10[%add3A_43, %dma_wait3A_239] : memref<10000x128xf32, #tpu.memory_space<vmem_shared>> -> memref<16x128xf32, #tpu.memory_space<vmem_shared>>
      tpu.wait_dma2 semaphore(%run_scoped3A : memref<!tpu.dma_semaphore, #tpu.memory_space<semaphore_mem>>) src(%arg9 : memref<16x128xf32, #tpu.memory_space<vmem>>) dst(%dma_wait3A_240 : memref<16x128xf32, #tpu.memory_space<vmem_shared>>)
      tpu.yield
    }) : () -> ()
    %add3A_44 = arith.constant 288 : i32
    %add3A_45 = arith.addi %mul3A_7, %add3A_44 : i32
    "tpu.region"() ({
      %run_scoped3A = tpu.sem_alloc : memref<!tpu.dma_semaphore, #tpu.memory_space<semaphore_mem>>
      %dma_start3A_233 = arith.constant 0 : i32
      %dma_start3A_234 = tpu.memref_slice %arg10[%add3A_45, %dma_start3A_233] : memref<10000x128xf32, #tpu.memory_space<vmem_shared>> -> memref<16x128xf32, #tpu.memory_space<vmem_shared>>
      %dma_start3A_235 = arith.constant 0 : i32
      %dma_start3A_236 = tpu.memref_slice %arg10[%add3A_45, %dma_start3A_235] : memref<10000x128xf32, #tpu.memory_space<vmem_shared>> -> memref<16x128xf32, #tpu.memory_space<vmem_shared>>
      tpu.enqueue_dma source(%arg9 : memref<16x128xf32, #tpu.memory_space<vmem>>) target(%dma_start3A_236 : memref<16x128xf32, #tpu.memory_space<vmem_shared>>) target_semaphore(%run_scoped3A : memref<!tpu.dma_semaphore, #tpu.memory_space<semaphore_mem>>)
      %dma_wait3A_237 = arith.constant 0 : i32
      %dma_wait3A_238 = tpu.memref_slice %arg10[%add3A_45, %dma_wait3A_237] : memref<10000x128xf32, #tpu.memory_space<vmem_shared>> -> memref<16x128xf32, #tpu.memory_space<vmem_shared>>
      %dma_wait3A_239 = arith.constant 0 : i32
      %dma_wait3A_240 = tpu.memref_slice %arg10[%add3A_45, %dma_wait3A_239] : memref<10000x128xf32, #tpu.memory_space<vmem_shared>> -> memref<16x128xf32, #tpu.memory_space<vmem_shared>>
      tpu.wait_dma2 semaphore(%run_scoped3A : memref<!tpu.dma_semaphore, #tpu.memory_space<semaphore_mem>>) src(%arg9 : memref<16x128xf32, #tpu.memory_space<vmem>>) dst(%dma_wait3A_240 : memref<16x128xf32, #tpu.memory_space<vmem_shared>>)
      tpu.yield
    }) : () -> ()
    %add3A_46 = arith.constant 304 : i32
    %add3A_47 = arith.addi %mul3A_7, %add3A_46 : i32
    "tpu.region"() ({
      %run_scoped3A = tpu.sem_alloc : memref<!tpu.dma_semaphore, #tpu.memory_space<semaphore_mem>>
      %dma_start3A_233 = arith.constant 0 : i32
      %dma_start3A_234 = tpu.memref_slice %arg10[%add3A_47, %dma_start3A_233] : memref<10000x128xf32, #tpu.memory_space<vmem_shared>> -> memref<16x128xf32, #tpu.memory_space<vmem_shared>>
      %dma_start3A_235 = arith.constant 0 : i32
      %dma_start3A_236 = tpu.memref_slice %arg10[%add3A_47, %dma_start3A_235] : memref<10000x128xf32, #tpu.memory_space<vmem_shared>> -> memref<16x128xf32, #tpu.memory_space<vmem_shared>>
      tpu.enqueue_dma source(%arg9 : memref<16x128xf32, #tpu.memory_space<vmem>>) target(%dma_start3A_236 : memref<16x128xf32, #tpu.memory_space<vmem_shared>>) target_semaphore(%run_scoped3A : memref<!tpu.dma_semaphore, #tpu.memory_space<semaphore_mem>>)
      %dma_wait3A_237 = arith.constant 0 : i32
      %dma_wait3A_238 = tpu.memref_slice %arg10[%add3A_47, %dma_wait3A_237] : memref<10000x128xf32, #tpu.memory_space<vmem_shared>> -> memref<16x128xf32, #tpu.memory_space<vmem_shared>>
      %dma_wait3A_239 = arith.constant 0 : i32
      %dma_wait3A_240 = tpu.memref_slice %arg10[%add3A_47, %dma_wait3A_239] : memref<10000x128xf32, #tpu.memory_space<vmem_shared>> -> memref<16x128xf32, #tpu.memory_space<vmem_shared>>
      tpu.wait_dma2 semaphore(%run_scoped3A : memref<!tpu.dma_semaphore, #tpu.memory_space<semaphore_mem>>) src(%arg9 : memref<16x128xf32, #tpu.memory_space<vmem>>) dst(%dma_wait3A_240 : memref<16x128xf32, #tpu.memory_space<vmem_shared>>)
      tpu.yield
    }) : () -> ()
    %add3A_48 = arith.constant 320 : i32
    %add3A_49 = arith.addi %mul3A_7, %add3A_48 : i32
    "tpu.region"() ({
      %run_scoped3A = tpu.sem_alloc : memref<!tpu.dma_semaphore, #tpu.memory_space<semaphore_mem>>
      %dma_start3A_233 = arith.constant 0 : i32
      %dma_start3A_234 = tpu.memref_slice %arg10[%add3A_49, %dma_start3A_233] : memref<10000x128xf32, #tpu.memory_space<vmem_shared>> -> memref<16x128xf32, #tpu.memory_space<vmem_shared>>
      %dma_start3A_235 = arith.constant 0 : i32
      %dma_start3A_236 = tpu.memref_slice %arg10[%add3A_49, %dma_start3A_235] : memref<10000x128xf32, #tpu.memory_space<vmem_shared>> -> memref<16x128xf32, #tpu.memory_space<vmem_shared>>
      tpu.enqueue_dma source(%arg9 : memref<16x128xf32, #tpu.memory_space<vmem>>) target(%dma_start3A_236 : memref<16x128xf32, #tpu.memory_space<vmem_shared>>) target_semaphore(%run_scoped3A : memref<!tpu.dma_semaphore, #tpu.memory_space<semaphore_mem>>)
      %dma_wait3A_237 = arith.constant 0 : i32
      %dma_wait3A_238 = tpu.memref_slice %arg10[%add3A_49, %dma_wait3A_237] : memref<10000x128xf32, #tpu.memory_space<vmem_shared>> -> memref<16x128xf32, #tpu.memory_space<vmem_shared>>
      %dma_wait3A_239 = arith.constant 0 : i32
      %dma_wait3A_240 = tpu.memref_slice %arg10[%add3A_49, %dma_wait3A_239] : memref<10000x128xf32, #tpu.memory_space<vmem_shared>> -> memref<16x128xf32, #tpu.memory_space<vmem_shared>>
      tpu.wait_dma2 semaphore(%run_scoped3A : memref<!tpu.dma_semaphore, #tpu.memory_space<semaphore_mem>>) src(%arg9 : memref<16x128xf32, #tpu.memory_space<vmem>>) dst(%dma_wait3A_240 : memref<16x128xf32, #tpu.memory_space<vmem_shared>>)
      tpu.yield
    }) : () -> ()
    %add3A_50 = arith.constant 336 : i32
    %add3A_51 = arith.addi %mul3A_7, %add3A_50 : i32
    "tpu.region"() ({
      %run_scoped3A = tpu.sem_alloc : memref<!tpu.dma_semaphore, #tpu.memory_space<semaphore_mem>>
      %dma_start3A_233 = arith.constant 0 : i32
      %dma_start3A_234 = tpu.memref_slice %arg10[%add3A_51, %dma_start3A_233] : memref<10000x128xf32, #tpu.memory_space<vmem_shared>> -> memref<16x128xf32, #tpu.memory_space<vmem_shared>>
      %dma_start3A_235 = arith.constant 0 : i32
      %dma_start3A_236 = tpu.memref_slice %arg10[%add3A_51, %dma_start3A_235] : memref<10000x128xf32, #tpu.memory_space<vmem_shared>> -> memref<16x128xf32, #tpu.memory_space<vmem_shared>>
      tpu.enqueue_dma source(%arg9 : memref<16x128xf32, #tpu.memory_space<vmem>>) target(%dma_start3A_236 : memref<16x128xf32, #tpu.memory_space<vmem_shared>>) target_semaphore(%run_scoped3A : memref<!tpu.dma_semaphore, #tpu.memory_space<semaphore_mem>>)
      %dma_wait3A_237 = arith.constant 0 : i32
      %dma_wait3A_238 = tpu.memref_slice %arg10[%add3A_51, %dma_wait3A_237] : memref<10000x128xf32, #tpu.memory_space<vmem_shared>> -> memref<16x128xf32, #tpu.memory_space<vmem_shared>>
      %dma_wait3A_239 = arith.constant 0 : i32
      %dma_wait3A_240 = tpu.memref_slice %arg10[%add3A_51, %dma_wait3A_239] : memref<10000x128xf32, #tpu.memory_space<vmem_shared>> -> memref<16x128xf32, #tpu.memory_space<vmem_shared>>
      tpu.wait_dma2 semaphore(%run_scoped3A : memref<!tpu.dma_semaphore, #tpu.memory_space<semaphore_mem>>) src(%arg9 : memref<16x128xf32, #tpu.memory_space<vmem>>) dst(%dma_wait3A_240 : memref<16x128xf32, #tpu.memory_space<vmem_shared>>)
      tpu.yield
    }) : () -> ()
    %add3A_52 = arith.constant 352 : i32
    %add3A_53 = arith.addi %mul3A_7, %add3A_52 : i32
    "tpu.region"() ({
      %run_scoped3A = tpu.sem_alloc : memref<!tpu.dma_semaphore, #tpu.memory_space<semaphore_mem>>
      %dma_start3A_233 = arith.constant 0 : i32
      %dma_start3A_234 = tpu.memref_slice %arg10[%add3A_53, %dma_start3A_233] : memref<10000x128xf32, #tpu.memory_space<vmem_shared>> -> memref<16x128xf32, #tpu.memory_space<vmem_shared>>
      %dma_start3A_235 = arith.constant 0 : i32
      %dma_start3A_236 = tpu.memref_slice %arg10[%add3A_53, %dma_start3A_235] : memref<10000x128xf32, #tpu.memory_space<vmem_shared>> -> memref<16x128xf32, #tpu.memory_space<vmem_shared>>
      tpu.enqueue_dma source(%arg9 : memref<16x128xf32, #tpu.memory_space<vmem>>) target(%dma_start3A_236 : memref<16x128xf32, #tpu.memory_space<vmem_shared>>) target_semaphore(%run_scoped3A : memref<!tpu.dma_semaphore, #tpu.memory_space<semaphore_mem>>)
      %dma_wait3A_237 = arith.constant 0 : i32
      %dma_wait3A_238 = tpu.memref_slice %arg10[%add3A_53, %dma_wait3A_237] : memref<10000x128xf32, #tpu.memory_space<vmem_shared>> -> memref<16x128xf32, #tpu.memory_space<vmem_shared>>
      %dma_wait3A_239 = arith.constant 0 : i32
      %dma_wait3A_240 = tpu.memref_slice %arg10[%add3A_53, %dma_wait3A_239] : memref<10000x128xf32, #tpu.memory_space<vmem_shared>> -> memref<16x128xf32, #tpu.memory_space<vmem_shared>>
      tpu.wait_dma2 semaphore(%run_scoped3A : memref<!tpu.dma_semaphore, #tpu.memory_space<semaphore_mem>>) src(%arg9 : memref<16x128xf32, #tpu.memory_space<vmem>>) dst(%dma_wait3A_240 : memref<16x128xf32, #tpu.memory_space<vmem_shared>>)
      tpu.yield
    }) : () -> ()
    %add3A_54 = arith.constant 368 : i32
    %add3A_55 = arith.addi %mul3A_7, %add3A_54 : i32
    "tpu.region"() ({
      %run_scoped3A = tpu.sem_alloc : memref<!tpu.dma_semaphore, #tpu.memory_space<semaphore_mem>>
      %dma_start3A_233 = arith.constant 0 : i32
      %dma_start3A_234 = tpu.memref_slice %arg10[%add3A_55, %dma_start3A_233] : memref<10000x128xf32, #tpu.memory_space<vmem_shared>> -> memref<16x128xf32, #tpu.memory_space<vmem_shared>>
      %dma_start3A_235 = arith.constant 0 : i32
      %dma_start3A_236 = tpu.memref_slice %arg10[%add3A_55, %dma_start3A_235] : memref<10000x128xf32, #tpu.memory_space<vmem_shared>> -> memref<16x128xf32, #tpu.memory_space<vmem_shared>>
      tpu.enqueue_dma source(%arg9 : memref<16x128xf32, #tpu.memory_space<vmem>>) target(%dma_start3A_236 : memref<16x128xf32, #tpu.memory_space<vmem_shared>>) target_semaphore(%run_scoped3A : memref<!tpu.dma_semaphore, #tpu.memory_space<semaphore_mem>>)
      %dma_wait3A_237 = arith.constant 0 : i32
      %dma_wait3A_238 = tpu.memref_slice %arg10[%add3A_55, %dma_wait3A_237] : memref<10000x128xf32, #tpu.memory_space<vmem_shared>> -> memref<16x128xf32, #tpu.memory_space<vmem_shared>>
      %dma_wait3A_239 = arith.constant 0 : i32
      %dma_wait3A_240 = tpu.memref_slice %arg10[%add3A_55, %dma_wait3A_239] : memref<10000x128xf32, #tpu.memory_space<vmem_shared>> -> memref<16x128xf32, #tpu.memory_space<vmem_shared>>
      tpu.wait_dma2 semaphore(%run_scoped3A : memref<!tpu.dma_semaphore, #tpu.memory_space<semaphore_mem>>) src(%arg9 : memref<16x128xf32, #tpu.memory_space<vmem>>) dst(%dma_wait3A_240 : memref<16x128xf32, #tpu.memory_space<vmem_shared>>)
      tpu.yield
    }) : () -> ()
    %add3A_56 = arith.constant 384 : i32
    %add3A_57 = arith.addi %mul3A_7, %add3A_56 : i32
    "tpu.region"() ({
      %run_scoped3A = tpu.sem_alloc : memref<!tpu.dma_semaphore, #tpu.memory_space<semaphore_mem>>
      %dma_start3A_233 = arith.constant 0 : i32
      %dma_start3A_234 = tpu.memref_slice %arg10[%add3A_57, %dma_start3A_233] : memref<10000x128xf32, #tpu.memory_space<vmem_shared>> -> memref<16x128xf32, #tpu.memory_space<vmem_shared>>
      %dma_start3A_235 = arith.constant 0 : i32
      %dma_start3A_236 = tpu.memref_slice %arg10[%add3A_57, %dma_start3A_235] : memref<10000x128xf32, #tpu.memory_space<vmem_shared>> -> memref<16x128xf32, #tpu.memory_space<vmem_shared>>
      tpu.enqueue_dma source(%arg9 : memref<16x128xf32, #tpu.memory_space<vmem>>) target(%dma_start3A_236 : memref<16x128xf32, #tpu.memory_space<vmem_shared>>) target_semaphore(%run_scoped3A : memref<!tpu.dma_semaphore, #tpu.memory_space<semaphore_mem>>)
      %dma_wait3A_237 = arith.constant 0 : i32
      %dma_wait3A_238 = tpu.memref_slice %arg10[%add3A_57, %dma_wait3A_237] : memref<10000x128xf32, #tpu.memory_space<vmem_shared>> -> memref<16x128xf32, #tpu.memory_space<vmem_shared>>
      %dma_wait3A_239 = arith.constant 0 : i32
      %dma_wait3A_240 = tpu.memref_slice %arg10[%add3A_57, %dma_wait3A_239] : memref<10000x128xf32, #tpu.memory_space<vmem_shared>> -> memref<16x128xf32, #tpu.memory_space<vmem_shared>>
      tpu.wait_dma2 semaphore(%run_scoped3A : memref<!tpu.dma_semaphore, #tpu.memory_space<semaphore_mem>>) src(%arg9 : memref<16x128xf32, #tpu.memory_space<vmem>>) dst(%dma_wait3A_240 : memref<16x128xf32, #tpu.memory_space<vmem_shared>>)
      tpu.yield
    }) : () -> ()
    %add3A_58 = arith.constant 400 : i32
    %add3A_59 = arith.addi %mul3A_7, %add3A_58 : i32
    "tpu.region"() ({
      %run_scoped3A = tpu.sem_alloc : memref<!tpu.dma_semaphore, #tpu.memory_space<semaphore_mem>>
      %dma_start3A_233 = arith.constant 0 : i32
      %dma_start3A_234 = tpu.memref_slice %arg10[%add3A_59, %dma_start3A_233] : memref<10000x128xf32, #tpu.memory_space<vmem_shared>> -> memref<16x128xf32, #tpu.memory_space<vmem_shared>>
      %dma_start3A_235 = arith.constant 0 : i32
      %dma_start3A_236 = tpu.memref_slice %arg10[%add3A_59, %dma_start3A_235] : memref<10000x128xf32, #tpu.memory_space<vmem_shared>> -> memref<16x128xf32, #tpu.memory_space<vmem_shared>>
      tpu.enqueue_dma source(%arg9 : memref<16x128xf32, #tpu.memory_space<vmem>>) target(%dma_start3A_236 : memref<16x128xf32, #tpu.memory_space<vmem_shared>>) target_semaphore(%run_scoped3A : memref<!tpu.dma_semaphore, #tpu.memory_space<semaphore_mem>>)
      %dma_wait3A_237 = arith.constant 0 : i32
      %dma_wait3A_238 = tpu.memref_slice %arg10[%add3A_59, %dma_wait3A_237] : memref<10000x128xf32, #tpu.memory_space<vmem_shared>> -> memref<16x128xf32, #tpu.memory_space<vmem_shared>>
      %dma_wait3A_239 = arith.constant 0 : i32
      %dma_wait3A_240 = tpu.memref_slice %arg10[%add3A_59, %dma_wait3A_239] : memref<10000x128xf32, #tpu.memory_space<vmem_shared>> -> memref<16x128xf32, #tpu.memory_space<vmem_shared>>
      tpu.wait_dma2 semaphore(%run_scoped3A : memref<!tpu.dma_semaphore, #tpu.memory_space<semaphore_mem>>) src(%arg9 : memref<16x128xf32, #tpu.memory_space<vmem>>) dst(%dma_wait3A_240 : memref<16x128xf32, #tpu.memory_space<vmem_shared>>)
      tpu.yield
    }) : () -> ()
    %add3A_60 = arith.constant 416 : i32
    %add3A_61 = arith.addi %mul3A_7, %add3A_60 : i32
    "tpu.region"() ({
      %run_scoped3A = tpu.sem_alloc : memref<!tpu.dma_semaphore, #tpu.memory_space<semaphore_mem>>
      %dma_start3A_233 = arith.constant 0 : i32
      %dma_start3A_234 = tpu.memref_slice %arg10[%add3A_61, %dma_start3A_233] : memref<10000x128xf32, #tpu.memory_space<vmem_shared>> -> memref<16x128xf32, #tpu.memory_space<vmem_shared>>
      %dma_start3A_235 = arith.constant 0 : i32
      %dma_start3A_236 = tpu.memref_slice %arg10[%add3A_61, %dma_start3A_235] : memref<10000x128xf32, #tpu.memory_space<vmem_shared>> -> memref<16x128xf32, #tpu.memory_space<vmem_shared>>
      tpu.enqueue_dma source(%arg9 : memref<16x128xf32, #tpu.memory_space<vmem>>) target(%dma_start3A_236 : memref<16x128xf32, #tpu.memory_space<vmem_shared>>) target_semaphore(%run_scoped3A : memref<!tpu.dma_semaphore, #tpu.memory_space<semaphore_mem>>)
      %dma_wait3A_237 = arith.constant 0 : i32
      %dma_wait3A_238 = tpu.memref_slice %arg10[%add3A_61, %dma_wait3A_237] : memref<10000x128xf32, #tpu.memory_space<vmem_shared>> -> memref<16x128xf32, #tpu.memory_space<vmem_shared>>
      %dma_wait3A_239 = arith.constant 0 : i32
      %dma_wait3A_240 = tpu.memref_slice %arg10[%add3A_61, %dma_wait3A_239] : memref<10000x128xf32, #tpu.memory_space<vmem_shared>> -> memref<16x128xf32, #tpu.memory_space<vmem_shared>>
      tpu.wait_dma2 semaphore(%run_scoped3A : memref<!tpu.dma_semaphore, #tpu.memory_space<semaphore_mem>>) src(%arg9 : memref<16x128xf32, #tpu.memory_space<vmem>>) dst(%dma_wait3A_240 : memref<16x128xf32, #tpu.memory_space<vmem_shared>>)
      tpu.yield
    }) : () -> ()
    %add3A_62 = arith.constant 432 : i32
    %add3A_63 = arith.addi %mul3A_7, %add3A_62 : i32
    "tpu.region"() ({
      %run_scoped3A = tpu.sem_alloc : memref<!tpu.dma_semaphore, #tpu.memory_space<semaphore_mem>>
      %dma_start3A_233 = arith.constant 0 : i32
      %dma_start3A_234 = tpu.memref_slice %arg10[%add3A_63, %dma_start3A_233] : memref<10000x128xf32, #tpu.memory_space<vmem_shared>> -> memref<16x128xf32, #tpu.memory_space<vmem_shared>>
      %dma_start3A_235 = arith.constant 0 : i32
      %dma_start3A_236 = tpu.memref_slice %arg10[%add3A_63, %dma_start3A_235] : memref<10000x128xf32, #tpu.memory_space<vmem_shared>> -> memref<16x128xf32, #tpu.memory_space<vmem_shared>>
      tpu.enqueue_dma source(%arg9 : memref<16x128xf32, #tpu.memory_space<vmem>>) target(%dma_start3A_236 : memref<16x128xf32, #tpu.memory_space<vmem_shared>>) target_semaphore(%run_scoped3A : memref<!tpu.dma_semaphore, #tpu.memory_space<semaphore_mem>>)
      %dma_wait3A_237 = arith.constant 0 : i32
      %dma_wait3A_238 = tpu.memref_slice %arg10[%add3A_63, %dma_wait3A_237] : memref<10000x128xf32, #tpu.memory_space<vmem_shared>> -> memref<16x128xf32, #tpu.memory_space<vmem_shared>>
      %dma_wait3A_239 = arith.constant 0 : i32
      %dma_wait3A_240 = tpu.memref_slice %arg10[%add3A_63, %dma_wait3A_239] : memref<10000x128xf32, #tpu.memory_space<vmem_shared>> -> memref<16x128xf32, #tpu.memory_space<vmem_shared>>
      tpu.wait_dma2 semaphore(%run_scoped3A : memref<!tpu.dma_semaphore, #tpu.memory_space<semaphore_mem>>) src(%arg9 : memref<16x128xf32, #tpu.memory_space<vmem>>) dst(%dma_wait3A_240 : memref<16x128xf32, #tpu.memory_space<vmem_shared>>)
      tpu.yield
    }) : () -> ()
    %add3A_64 = arith.constant 448 : i32
    %add3A_65 = arith.addi %mul3A_7, %add3A_64 : i32
    "tpu.region"() ({
      %run_scoped3A = tpu.sem_alloc : memref<!tpu.dma_semaphore, #tpu.memory_space<semaphore_mem>>
      %dma_start3A_233 = arith.constant 0 : i32
      %dma_start3A_234 = tpu.memref_slice %arg10[%add3A_65, %dma_start3A_233] : memref<10000x128xf32, #tpu.memory_space<vmem_shared>> -> memref<16x128xf32, #tpu.memory_space<vmem_shared>>
      %dma_start3A_235 = arith.constant 0 : i32
      %dma_start3A_236 = tpu.memref_slice %arg10[%add3A_65, %dma_start3A_235] : memref<10000x128xf32, #tpu.memory_space<vmem_shared>> -> memref<16x128xf32, #tpu.memory_space<vmem_shared>>
      tpu.enqueue_dma source(%arg9 : memref<16x128xf32, #tpu.memory_space<vmem>>) target(%dma_start3A_236 : memref<16x128xf32, #tpu.memory_space<vmem_shared>>) target_semaphore(%run_scoped3A : memref<!tpu.dma_semaphore, #tpu.memory_space<semaphore_mem>>)
      %dma_wait3A_237 = arith.constant 0 : i32
      %dma_wait3A_238 = tpu.memref_slice %arg10[%add3A_65, %dma_wait3A_237] : memref<10000x128xf32, #tpu.memory_space<vmem_shared>> -> memref<16x128xf32, #tpu.memory_space<vmem_shared>>
      %dma_wait3A_239 = arith.constant 0 : i32
      %dma_wait3A_240 = tpu.memref_slice %arg10[%add3A_65, %dma_wait3A_239] : memref<10000x128xf32, #tpu.memory_space<vmem_shared>> -> memref<16x128xf32, #tpu.memory_space<vmem_shared>>
      tpu.wait_dma2 semaphore(%run_scoped3A : memref<!tpu.dma_semaphore, #tpu.memory_space<semaphore_mem>>) src(%arg9 : memref<16x128xf32, #tpu.memory_space<vmem>>) dst(%dma_wait3A_240 : memref<16x128xf32, #tpu.memory_space<vmem_shared>>)
      tpu.yield
    }) : () -> ()
    %add3A_66 = arith.constant 464 : i32
    %add3A_67 = arith.addi %mul3A_7, %add3A_66 : i32
    "tpu.region"() ({
      %run_scoped3A = tpu.sem_alloc : memref<!tpu.dma_semaphore, #tpu.memory_space<semaphore_mem>>
      %dma_start3A_233 = arith.constant 0 : i32
      %dma_start3A_234 = tpu.memref_slice %arg10[%add3A_67, %dma_start3A_233] : memref<10000x128xf32, #tpu.memory_space<vmem_shared>> -> memref<16x128xf32, #tpu.memory_space<vmem_shared>>
      %dma_start3A_235 = arith.constant 0 : i32
      %dma_start3A_236 = tpu.memref_slice %arg10[%add3A_67, %dma_start3A_235] : memref<10000x128xf32, #tpu.memory_space<vmem_shared>> -> memref<16x128xf32, #tpu.memory_space<vmem_shared>>
      tpu.enqueue_dma source(%arg9 : memref<16x128xf32, #tpu.memory_space<vmem>>) target(%dma_start3A_236 : memref<16x128xf32, #tpu.memory_space<vmem_shared>>) target_semaphore(%run_scoped3A : memref<!tpu.dma_semaphore, #tpu.memory_space<semaphore_mem>>)
      %dma_wait3A_237 = arith.constant 0 : i32
      %dma_wait3A_238 = tpu.memref_slice %arg10[%add3A_67, %dma_wait3A_237] : memref<10000x128xf32, #tpu.memory_space<vmem_shared>> -> memref<16x128xf32, #tpu.memory_space<vmem_shared>>
      %dma_wait3A_239 = arith.constant 0 : i32
      %dma_wait3A_240 = tpu.memref_slice %arg10[%add3A_67, %dma_wait3A_239] : memref<10000x128xf32, #tpu.memory_space<vmem_shared>> -> memref<16x128xf32, #tpu.memory_space<vmem_shared>>
      tpu.wait_dma2 semaphore(%run_scoped3A : memref<!tpu.dma_semaphore, #tpu.memory_space<semaphore_mem>>) src(%arg9 : memref<16x128xf32, #tpu.memory_space<vmem>>) dst(%dma_wait3A_240 : memref<16x128xf32, #tpu.memory_space<vmem_shared>>)
      tpu.yield
    }) : () -> ()
    %add3A_68 = arith.constant 480 : i32
    %add3A_69 = arith.addi %mul3A_7, %add3A_68 : i32
    "tpu.region"() ({
      %run_scoped3A = tpu.sem_alloc : memref<!tpu.dma_semaphore, #tpu.memory_space<semaphore_mem>>
      %dma_start3A_233 = arith.constant 0 : i32
      %dma_start3A_234 = tpu.memref_slice %arg10[%add3A_69, %dma_start3A_233] : memref<10000x128xf32, #tpu.memory_space<vmem_shared>> -> memref<16x128xf32, #tpu.memory_space<vmem_shared>>
      %dma_start3A_235 = arith.constant 0 : i32
      %dma_start3A_236 = tpu.memref_slice %arg10[%add3A_69, %dma_start3A_235] : memref<10000x128xf32, #tpu.memory_space<vmem_shared>> -> memref<16x128xf32, #tpu.memory_space<vmem_shared>>
      tpu.enqueue_dma source(%arg9 : memref<16x128xf32, #tpu.memory_space<vmem>>) target(%dma_start3A_236 : memref<16x128xf32, #tpu.memory_space<vmem_shared>>) target_semaphore(%run_scoped3A : memref<!tpu.dma_semaphore, #tpu.memory_space<semaphore_mem>>)
      %dma_wait3A_237 = arith.constant 0 : i32
      %dma_wait3A_238 = tpu.memref_slice %arg10[%add3A_69, %dma_wait3A_237] : memref<10000x128xf32, #tpu.memory_space<vmem_shared>> -> memref<16x128xf32, #tpu.memory_space<vmem_shared>>
      %dma_wait3A_239 = arith.constant 0 : i32
      %dma_wait3A_240 = tpu.memref_slice %arg10[%add3A_69, %dma_wait3A_239] : memref<10000x128xf32, #tpu.memory_space<vmem_shared>> -> memref<16x128xf32, #tpu.memory_space<vmem_shared>>
      tpu.wait_dma2 semaphore(%run_scoped3A : memref<!tpu.dma_semaphore, #tpu.memory_space<semaphore_mem>>) src(%arg9 : memref<16x128xf32, #tpu.memory_space<vmem>>) dst(%dma_wait3A_240 : memref<16x128xf32, #tpu.memory_space<vmem_shared>>)
      tpu.yield
    }) : () -> ()
    %add3A_70 = arith.constant 496 : i32
    %add3A_71 = arith.addi %mul3A_7, %add3A_70 : i32
    "tpu.region"() ({
      %run_scoped3A = tpu.sem_alloc : memref<!tpu.dma_semaphore, #tpu.memory_space<semaphore_mem>>
      %dma_start3A_233 = arith.constant 0 : i32
      %dma_start3A_234 = tpu.memref_slice %arg10[%add3A_71, %dma_start3A_233] : memref<10000x128xf32, #tpu.memory_space<vmem_shared>> -> memref<16x128xf32, #tpu.memory_space<vmem_shared>>
      %dma_start3A_235 = arith.constant 0 : i32
      %dma_start3A_236 = tpu.memref_slice %arg10[%add3A_71, %dma_start3A_235] : memref<10000x128xf32, #tpu.memory_space<vmem_shared>> -> memref<16x128xf32, #tpu.memory_space<vmem_shared>>
      tpu.enqueue_dma source(%arg9 : memref<16x128xf32, #tpu.memory_space<vmem>>) target(%dma_start3A_236 : memref<16x128xf32, #tpu.memory_space<vmem_shared>>) target_semaphore(%run_scoped3A : memref<!tpu.dma_semaphore, #tpu.memory_space<semaphore_mem>>)
      %dma_wait3A_237 = arith.constant 0 : i32
      %dma_wait3A_238 = tpu.memref_slice %arg10[%add3A_71, %dma_wait3A_237] : memref<10000x128xf32, #tpu.memory_space<vmem_shared>> -> memref<16x128xf32, #tpu.memory_space<vmem_shared>>
      %dma_wait3A_239 = arith.constant 0 : i32
      %dma_wait3A_240 = tpu.memref_slice %arg10[%add3A_71, %dma_wait3A_239] : memref<10000x128xf32, #tpu.memory_space<vmem_shared>> -> memref<16x128xf32, #tpu.memory_space<vmem_shared>>
      tpu.wait_dma2 semaphore(%run_scoped3A : memref<!tpu.dma_semaphore, #tpu.memory_space<semaphore_mem>>) src(%arg9 : memref<16x128xf32, #tpu.memory_space<vmem>>) dst(%dma_wait3A_240 : memref<16x128xf32, #tpu.memory_space<vmem_shared>>)
      tpu.yield
    }) : () -> ()
    %add3A_72 = arith.constant 512 : i32
    %add3A_73 = arith.addi %mul3A_7, %add3A_72 : i32
    "tpu.region"() ({
      %run_scoped3A = tpu.sem_alloc : memref<!tpu.dma_semaphore, #tpu.memory_space<semaphore_mem>>
      %dma_start3A_233 = arith.constant 0 : i32
      %dma_start3A_234 = tpu.memref_slice %arg10[%add3A_73, %dma_start3A_233] : memref<10000x128xf32, #tpu.memory_space<vmem_shared>> -> memref<16x128xf32, #tpu.memory_space<vmem_shared>>
      %dma_start3A_235 = arith.constant 0 : i32
      %dma_start3A_236 = tpu.memref_slice %arg10[%add3A_73, %dma_start3A_235] : memref<10000x128xf32, #tpu.memory_space<vmem_shared>> -> memref<16x128xf32, #tpu.memory_space<vmem_shared>>
      tpu.enqueue_dma source(%arg9 : memref<16x128xf32, #tpu.memory_space<vmem>>) target(%dma_start3A_236 : memref<16x128xf32, #tpu.memory_space<vmem_shared>>) target_semaphore(%run_scoped3A : memref<!tpu.dma_semaphore, #tpu.memory_space<semaphore_mem>>)
      %dma_wait3A_237 = arith.constant 0 : i32
      %dma_wait3A_238 = tpu.memref_slice %arg10[%add3A_73, %dma_wait3A_237] : memref<10000x128xf32, #tpu.memory_space<vmem_shared>> -> memref<16x128xf32, #tpu.memory_space<vmem_shared>>
      %dma_wait3A_239 = arith.constant 0 : i32
      %dma_wait3A_240 = tpu.memref_slice %arg10[%add3A_73, %dma_wait3A_239] : memref<10000x128xf32, #tpu.memory_space<vmem_shared>> -> memref<16x128xf32, #tpu.memory_space<vmem_shared>>
      tpu.wait_dma2 semaphore(%run_scoped3A : memref<!tpu.dma_semaphore, #tpu.memory_space<semaphore_mem>>) src(%arg9 : memref<16x128xf32, #tpu.memory_space<vmem>>) dst(%dma_wait3A_240 : memref<16x128xf32, #tpu.memory_space<vmem_shared>>)
      tpu.yield
    }) : () -> ()
    %add3A_74 = arith.constant 528 : i32
    %add3A_75 = arith.addi %mul3A_7, %add3A_74 : i32
    "tpu.region"() ({
      %run_scoped3A = tpu.sem_alloc : memref<!tpu.dma_semaphore, #tpu.memory_space<semaphore_mem>>
      %dma_start3A_233 = arith.constant 0 : i32
      %dma_start3A_234 = tpu.memref_slice %arg10[%add3A_75, %dma_start3A_233] : memref<10000x128xf32, #tpu.memory_space<vmem_shared>> -> memref<16x128xf32, #tpu.memory_space<vmem_shared>>
      %dma_start3A_235 = arith.constant 0 : i32
      %dma_start3A_236 = tpu.memref_slice %arg10[%add3A_75, %dma_start3A_235] : memref<10000x128xf32, #tpu.memory_space<vmem_shared>> -> memref<16x128xf32, #tpu.memory_space<vmem_shared>>
      tpu.enqueue_dma source(%arg9 : memref<16x128xf32, #tpu.memory_space<vmem>>) target(%dma_start3A_236 : memref<16x128xf32, #tpu.memory_space<vmem_shared>>) target_semaphore(%run_scoped3A : memref<!tpu.dma_semaphore, #tpu.memory_space<semaphore_mem>>)
      %dma_wait3A_237 = arith.constant 0 : i32
      %dma_wait3A_238 = tpu.memref_slice %arg10[%add3A_75, %dma_wait3A_237] : memref<10000x128xf32, #tpu.memory_space<vmem_shared>> -> memref<16x128xf32, #tpu.memory_space<vmem_shared>>
      %dma_wait3A_239 = arith.constant 0 : i32
      %dma_wait3A_240 = tpu.memref_slice %arg10[%add3A_75, %dma_wait3A_239] : memref<10000x128xf32, #tpu.memory_space<vmem_shared>> -> memref<16x128xf32, #tpu.memory_space<vmem_shared>>
      tpu.wait_dma2 semaphore(%run_scoped3A : memref<!tpu.dma_semaphore, #tpu.memory_space<semaphore_mem>>) src(%arg9 : memref<16x128xf32, #tpu.memory_space<vmem>>) dst(%dma_wait3A_240 : memref<16x128xf32, #tpu.memory_space<vmem_shared>>)
      tpu.yield
    }) : () -> ()
    %add3A_76 = arith.constant 544 : i32
    %add3A_77 = arith.addi %mul3A_7, %add3A_76 : i32
    "tpu.region"() ({
      %run_scoped3A = tpu.sem_alloc : memref<!tpu.dma_semaphore, #tpu.memory_space<semaphore_mem>>
      %dma_start3A_233 = arith.constant 0 : i32
      %dma_start3A_234 = tpu.memref_slice %arg10[%add3A_77, %dma_start3A_233] : memref<10000x128xf32, #tpu.memory_space<vmem_shared>> -> memref<16x128xf32, #tpu.memory_space<vmem_shared>>
      %dma_start3A_235 = arith.constant 0 : i32
      %dma_start3A_236 = tpu.memref_slice %arg10[%add3A_77, %dma_start3A_235] : memref<10000x128xf32, #tpu.memory_space<vmem_shared>> -> memref<16x128xf32, #tpu.memory_space<vmem_shared>>
      tpu.enqueue_dma source(%arg9 : memref<16x128xf32, #tpu.memory_space<vmem>>) target(%dma_start3A_236 : memref<16x128xf32, #tpu.memory_space<vmem_shared>>) target_semaphore(%run_scoped3A : memref<!tpu.dma_semaphore, #tpu.memory_space<semaphore_mem>>)
      %dma_wait3A_237 = arith.constant 0 : i32
      %dma_wait3A_238 = tpu.memref_slice %arg10[%add3A_77, %dma_wait3A_237] : memref<10000x128xf32, #tpu.memory_space<vmem_shared>> -> memref<16x128xf32, #tpu.memory_space<vmem_shared>>
      %dma_wait3A_239 = arith.constant 0 : i32
      %dma_wait3A_240 = tpu.memref_slice %arg10[%add3A_77, %dma_wait3A_239] : memref<10000x128xf32, #tpu.memory_space<vmem_shared>> -> memref<16x128xf32, #tpu.memory_space<vmem_shared>>
      tpu.wait_dma2 semaphore(%run_scoped3A : memref<!tpu.dma_semaphore, #tpu.memory_space<semaphore_mem>>) src(%arg9 : memref<16x128xf32, #tpu.memory_space<vmem>>) dst(%dma_wait3A_240 : memref<16x128xf32, #tpu.memory_space<vmem_shared>>)
      tpu.yield
    }) : () -> ()
    %add3A_78 = arith.constant 560 : i32
    %add3A_79 = arith.addi %mul3A_7, %add3A_78 : i32
    "tpu.region"() ({
      %run_scoped3A = tpu.sem_alloc : memref<!tpu.dma_semaphore, #tpu.memory_space<semaphore_mem>>
      %dma_start3A_233 = arith.constant 0 : i32
      %dma_start3A_234 = tpu.memref_slice %arg10[%add3A_79, %dma_start3A_233] : memref<10000x128xf32, #tpu.memory_space<vmem_shared>> -> memref<16x128xf32, #tpu.memory_space<vmem_shared>>
      %dma_start3A_235 = arith.constant 0 : i32
      %dma_start3A_236 = tpu.memref_slice %arg10[%add3A_79, %dma_start3A_235] : memref<10000x128xf32, #tpu.memory_space<vmem_shared>> -> memref<16x128xf32, #tpu.memory_space<vmem_shared>>
      tpu.enqueue_dma source(%arg9 : memref<16x128xf32, #tpu.memory_space<vmem>>) target(%dma_start3A_236 : memref<16x128xf32, #tpu.memory_space<vmem_shared>>) target_semaphore(%run_scoped3A : memref<!tpu.dma_semaphore, #tpu.memory_space<semaphore_mem>>)
      %dma_wait3A_237 = arith.constant 0 : i32
      %dma_wait3A_238 = tpu.memref_slice %arg10[%add3A_79, %dma_wait3A_237] : memref<10000x128xf32, #tpu.memory_space<vmem_shared>> -> memref<16x128xf32, #tpu.memory_space<vmem_shared>>
      %dma_wait3A_239 = arith.constant 0 : i32
      %dma_wait3A_240 = tpu.memref_slice %arg10[%add3A_79, %dma_wait3A_239] : memref<10000x128xf32, #tpu.memory_space<vmem_shared>> -> memref<16x128xf32, #tpu.memory_space<vmem_shared>>
      tpu.wait_dma2 semaphore(%run_scoped3A : memref<!tpu.dma_semaphore, #tpu.memory_space<semaphore_mem>>) src(%arg9 : memref<16x128xf32, #tpu.memory_space<vmem>>) dst(%dma_wait3A_240 : memref<16x128xf32, #tpu.memory_space<vmem_shared>>)
      tpu.yield
    }) : () -> ()
    %add3A_80 = arith.constant 576 : i32
    %add3A_81 = arith.addi %mul3A_7, %add3A_80 : i32
    "tpu.region"() ({
      %run_scoped3A = tpu.sem_alloc : memref<!tpu.dma_semaphore, #tpu.memory_space<semaphore_mem>>
      %dma_start3A_233 = arith.constant 0 : i32
      %dma_start3A_234 = tpu.memref_slice %arg10[%add3A_81, %dma_start3A_233] : memref<10000x128xf32, #tpu.memory_space<vmem_shared>> -> memref<16x128xf32, #tpu.memory_space<vmem_shared>>
      %dma_start3A_235 = arith.constant 0 : i32
      %dma_start3A_236 = tpu.memref_slice %arg10[%add3A_81, %dma_start3A_235] : memref<10000x128xf32, #tpu.memory_space<vmem_shared>> -> memref<16x128xf32, #tpu.memory_space<vmem_shared>>
      tpu.enqueue_dma source(%arg9 : memref<16x128xf32, #tpu.memory_space<vmem>>) target(%dma_start3A_236 : memref<16x128xf32, #tpu.memory_space<vmem_shared>>) target_semaphore(%run_scoped3A : memref<!tpu.dma_semaphore, #tpu.memory_space<semaphore_mem>>)
      %dma_wait3A_237 = arith.constant 0 : i32
      %dma_wait3A_238 = tpu.memref_slice %arg10[%add3A_81, %dma_wait3A_237] : memref<10000x128xf32, #tpu.memory_space<vmem_shared>> -> memref<16x128xf32, #tpu.memory_space<vmem_shared>>
      %dma_wait3A_239 = arith.constant 0 : i32
      %dma_wait3A_240 = tpu.memref_slice %arg10[%add3A_81, %dma_wait3A_239] : memref<10000x128xf32, #tpu.memory_space<vmem_shared>> -> memref<16x128xf32, #tpu.memory_space<vmem_shared>>
      tpu.wait_dma2 semaphore(%run_scoped3A : memref<!tpu.dma_semaphore, #tpu.memory_space<semaphore_mem>>) src(%arg9 : memref<16x128xf32, #tpu.memory_space<vmem>>) dst(%dma_wait3A_240 : memref<16x128xf32, #tpu.memory_space<vmem_shared>>)
      tpu.yield
    }) : () -> ()
    %add3A_82 = arith.constant 592 : i32
    %add3A_83 = arith.addi %mul3A_7, %add3A_82 : i32
    "tpu.region"() ({
      %run_scoped3A = tpu.sem_alloc : memref<!tpu.dma_semaphore, #tpu.memory_space<semaphore_mem>>
      %dma_start3A_233 = arith.constant 0 : i32
      %dma_start3A_234 = tpu.memref_slice %arg10[%add3A_83, %dma_start3A_233] : memref<10000x128xf32, #tpu.memory_space<vmem_shared>> -> memref<16x128xf32, #tpu.memory_space<vmem_shared>>
      %dma_start3A_235 = arith.constant 0 : i32
      %dma_start3A_236 = tpu.memref_slice %arg10[%add3A_83, %dma_start3A_235] : memref<10000x128xf32, #tpu.memory_space<vmem_shared>> -> memref<16x128xf32, #tpu.memory_space<vmem_shared>>
      tpu.enqueue_dma source(%arg9 : memref<16x128xf32, #tpu.memory_space<vmem>>) target(%dma_start3A_236 : memref<16x128xf32, #tpu.memory_space<vmem_shared>>) target_semaphore(%run_scoped3A : memref<!tpu.dma_semaphore, #tpu.memory_space<semaphore_mem>>)
      %dma_wait3A_237 = arith.constant 0 : i32
      %dma_wait3A_238 = tpu.memref_slice %arg10[%add3A_83, %dma_wait3A_237] : memref<10000x128xf32, #tpu.memory_space<vmem_shared>> -> memref<16x128xf32, #tpu.memory_space<vmem_shared>>
      %dma_wait3A_239 = arith.constant 0 : i32
      %dma_wait3A_240 = tpu.memref_slice %arg10[%add3A_83, %dma_wait3A_239] : memref<10000x128xf32, #tpu.memory_space<vmem_shared>> -> memref<16x128xf32, #tpu.memory_space<vmem_shared>>
      tpu.wait_dma2 semaphore(%run_scoped3A : memref<!tpu.dma_semaphore, #tpu.memory_space<semaphore_mem>>) src(%arg9 : memref<16x128xf32, #tpu.memory_space<vmem>>) dst(%dma_wait3A_240 : memref<16x128xf32, #tpu.memory_space<vmem_shared>>)
      tpu.yield
    }) : () -> ()
    %add3A_84 = arith.constant 608 : i32
    %add3A_85 = arith.addi %mul3A_7, %add3A_84 : i32
    "tpu.region"() ({
      %run_scoped3A = tpu.sem_alloc : memref<!tpu.dma_semaphore, #tpu.memory_space<semaphore_mem>>
      %dma_start3A_233 = arith.constant 0 : i32
      %dma_start3A_234 = tpu.memref_slice %arg10[%add3A_85, %dma_start3A_233] : memref<10000x128xf32, #tpu.memory_space<vmem_shared>> -> memref<16x128xf32, #tpu.memory_space<vmem_shared>>
      %dma_start3A_235 = arith.constant 0 : i32
      %dma_start3A_236 = tpu.memref_slice %arg10[%add3A_85, %dma_start3A_235] : memref<10000x128xf32, #tpu.memory_space<vmem_shared>> -> memref<16x128xf32, #tpu.memory_space<vmem_shared>>
      tpu.enqueue_dma source(%arg9 : memref<16x128xf32, #tpu.memory_space<vmem>>) target(%dma_start3A_236 : memref<16x128xf32, #tpu.memory_space<vmem_shared>>) target_semaphore(%run_scoped3A : memref<!tpu.dma_semaphore, #tpu.memory_space<semaphore_mem>>)
      %dma_wait3A_237 = arith.constant 0 : i32
      %dma_wait3A_238 = tpu.memref_slice %arg10[%add3A_85, %dma_wait3A_237] : memref<10000x128xf32, #tpu.memory_space<vmem_shared>> -> memref<16x128xf32, #tpu.memory_space<vmem_shared>>
      %dma_wait3A_239 = arith.constant 0 : i32
      %dma_wait3A_240 = tpu.memref_slice %arg10[%add3A_85, %dma_wait3A_239] : memref<10000x128xf32, #tpu.memory_space<vmem_shared>> -> memref<16x128xf32, #tpu.memory_space<vmem_shared>>
      tpu.wait_dma2 semaphore(%run_scoped3A : memref<!tpu.dma_semaphore, #tpu.memory_space<semaphore_mem>>) src(%arg9 : memref<16x128xf32, #tpu.memory_space<vmem>>) dst(%dma_wait3A_240 : memref<16x128xf32, #tpu.memory_space<vmem_shared>>)
      tpu.yield
    }) : () -> ()
    %eq3A = arith.constant 15 : i32
    %eq3A_86 = arith.cmpi eq, %arg1, %eq3A : i32
    %convert_element_type3A = arith.extui %eq3A_86 : i1 to i32
    %cond3A = arith.constant 0 : i32
    %cond3A_87 = arith.cmpi ne, %convert_element_type3A, %cond3A : i32
    scf.if %cond3A_87 {
      "tpu.region"() ({
        %run_scoped3A = tpu.sem_alloc : memref<!tpu.dma_semaphore, #tpu.memory_space<semaphore_mem>>
        %dma_start3A_233 = arith.constant 9984 : i32
        %dma_start3A_234 = arith.constant 0 : i32
        %dma_start3A_235 = tpu.memref_slice %arg10[%dma_start3A_233, %dma_start3A_234] : memref<10000x128xf32, #tpu.memory_space<vmem_shared>> -> memref<16x128xf32, #tpu.memory_space<vmem_shared>>
        %dma_start3A_236 = arith.constant 9984 : i32
        %dma_start3A_237 = arith.constant 0 : i32
        %dma_start3A_238 = tpu.memref_slice %arg10[%dma_start3A_236, %dma_start3A_237] : memref<10000x128xf32, #tpu.memory_space<vmem_shared>> -> memref<16x128xf32, #tpu.memory_space<vmem_shared>>
        tpu.enqueue_dma source(%arg9 : memref<16x128xf32, #tpu.memory_space<vmem>>) target(%dma_start3A_238 : memref<16x128xf32, #tpu.memory_space<vmem_shared>>) target_semaphore(%run_scoped3A : memref<!tpu.dma_semaphore, #tpu.memory_space<semaphore_mem>>)
        %dma_wait3A_239 = arith.constant 9984 : i32
        %dma_wait3A_240 = arith.constant 0 : i32
        %dma_wait3A_241 = tpu.memref_slice %arg10[%dma_wait3A_239, %dma_wait3A_240] : memref<10000x128xf32, #tpu.memory_space<vmem_shared>> -> memref<16x128xf32, #tpu.memory_space<vmem_shared>>
        %dma_wait3A_242 = arith.constant 9984 : i32
        %dma_wait3A_243 = arith.constant 0 : i32
        %dma_wait3A_244 = tpu.memref_slice %arg10[%dma_wait3A_242, %dma_wait3A_243] : memref<10000x128xf32, #tpu.memory_space<vmem_shared>> -> memref<16x128xf32, #tpu.memory_space<vmem_shared>>
        tpu.wait_dma2 semaphore(%run_scoped3A : memref<!tpu.dma_semaphore, #tpu.memory_space<semaphore_mem>>) src(%arg9 : memref<16x128xf32, #tpu.memory_space<vmem>>) dst(%dma_wait3A_244 : memref<16x128xf32, #tpu.memory_space<vmem_shared>>)
        tpu.yield
      }) : () -> ()
    } else {
    }
    %barrier3A = arith.constant 0 : index
    tpu.barrier barrier_id(%barrier3A)
    %get3A = arith.constant 0 : i32
    %get3A_88 = arith.index_cast %get3A : i32 to index
    %get3A_89 = arith.constant 0 : index
    %get3A_90 = tpu.vector_load %arg5[%get3A_88, %get3A_89] {strides = array<i32>} : memref<125x80xi32, #tpu.memory_space<vmem>>, vector<1x16xi32>,
    %get3A_91 = vector.shape_cast %get3A_90 : vector<1x16xi32> to vector<16xi32>
    %shift_right_logical3A = arith.constant 14 : i32
    %shift_right_logical3A_92 = vector.broadcast %shift_right_logical3A : i32 to vector<16xi32>
    %shift_right_logical3A_93 = arith.shrui %get3A_91, %shift_right_logical3A_92 : vector<16xi32>
    %swap3A = arith.constant 0 : i32
    %swap3A_94 = arith.index_cast %swap3A : i32 to index
    %swap3A_95 = arith.constant 0 : index
    %swap3A_96 = tpu.vector_load %arg6[%swap3A_94, %swap3A_95] {strides = array<i32>} : memref<2x80xi32, #tpu.memory_space<vmem>>, vector<1x16xi32>,
    %swap3A_97 = vector.shape_cast %swap3A_96 : vector<1x16xi32> to vector<16xi32>
    %swap3A_98 = vector.shape_cast %shift_right_logical3A_93 : vector<16xi32> to vector<1x16xi32>
    tpu.vector_store %arg6[%swap3A_94, %swap3A_95], %swap3A_98 {strides = array<i32>} : memref<2x80xi32, #tpu.memory_space<vmem>>, vector<1x16xi32>,
    %and3A = arith.constant 16383 : i32
    %and3A_99 = vector.broadcast %and3A : i32 to vector<16xi32>
    %and3A_100 = arith.andi %get3A_91, %and3A_99 : vector<16xi32>
    %swap3A_101 = arith.constant 0 : i32
    %swap3A_102 = arith.index_cast %swap3A_101 : i32 to index
    %swap3A_103 = arith.constant 0 : index
    %swap3A_104 = tpu.vector_load %arg7[%swap3A_102, %swap3A_103] {strides = array<i32>} : memref<2x80xi32, #tpu.memory_space<vmem>>, vector<1x16xi32>,
    %swap3A_105 = vector.shape_cast %swap3A_104 : vector<1x16xi32> to vector<16xi32>
    %swap3A_106 = vector.shape_cast %and3A_100 : vector<16xi32> to vector<1x16xi32>
    tpu.vector_store %arg7[%swap3A_102, %swap3A_103], %swap3A_106 {strides = array<i32>} : memref<2x80xi32, #tpu.memory_space<vmem>>, vector<1x16xi32>,
    %get3A_107 = arith.constant 0 : i32
    %get3A_108 = arith.index_cast %get3A_107 : i32 to index
    %get3A_109 = arith.constant 16 : index
    %get3A_110 = tpu.vector_load %arg5[%get3A_108, %get3A_109] {strides = array<i32>} : memref<125x80xi32, #tpu.memory_space<vmem>>, vector<1x16xi32>,
    %get3A_111 = vector.shape_cast %get3A_110 : vector<1x16xi32> to vector<16xi32>
    %shift_right_logical3A_112 = arith.constant 14 : i32
    %shift_right_logical3A_113 = vector.broadcast %shift_right_logical3A_112 : i32 to vector<16xi32>
    %shift_right_logical3A_114 = arith.shrui %get3A_111, %shift_right_logical3A_113 : vector<16xi32>
    %swap3A_115 = arith.constant 0 : i32
    %swap3A_116 = arith.index_cast %swap3A_115 : i32 to index
    %swap3A_117 = arith.constant 16 : index
    %swap3A_118 = tpu.vector_load %arg6[%swap3A_116, %swap3A_117] {strides = array<i32>} : memref<2x80xi32, #tpu.memory_space<vmem>>, vector<1x16xi32>,
    %swap3A_119 = vector.shape_cast %swap3A_118 : vector<1x16xi32> to vector<16xi32>
    %swap3A_120 = vector.shape_cast %shift_right_logical3A_114 : vector<16xi32> to vector<1x16xi32>
    tpu.vector_store %arg6[%swap3A_116, %swap3A_117], %swap3A_120 {strides = array<i32>} : memref<2x80xi32, #tpu.memory_space<vmem>>, vector<1x16xi32>,
    %and3A_121 = arith.constant 16383 : i32
    %and3A_122 = vector.broadcast %and3A_121 : i32 to vector<16xi32>
    %and3A_123 = arith.andi %get3A_111, %and3A_122 : vector<16xi32>
    %swap3A_124 = arith.constant 0 : i32
    %swap3A_125 = arith.index_cast %swap3A_124 : i32 to index
    %swap3A_126 = arith.constant 16 : index
    %swap3A_127 = tpu.vector_load %arg7[%swap3A_125, %swap3A_126] {strides = array<i32>} : memref<2x80xi32, #tpu.memory_space<vmem>>, vector<1x16xi32>,
    %swap3A_128 = vector.shape_cast %swap3A_127 : vector<1x16xi32> to vector<16xi32>
    %swap3A_129 = vector.shape_cast %and3A_123 : vector<16xi32> to vector<1x16xi32>
    tpu.vector_store %arg7[%swap3A_125, %swap3A_126], %swap3A_129 {strides = array<i32>} : memref<2x80xi32, #tpu.memory_space<vmem>>, vector<1x16xi32>,
    %get3A_130 = arith.constant 0 : i32
    %get3A_131 = arith.index_cast %get3A_130 : i32 to index
    %get3A_132 = arith.constant 32 : index
    %get3A_133 = tpu.vector_load %arg5[%get3A_131, %get3A_132] {strides = array<i32>} : memref<125x80xi32, #tpu.memory_space<vmem>>, vector<1x16xi32>,
    %get3A_134 = vector.shape_cast %get3A_133 : vector<1x16xi32> to vector<16xi32>
    %shift_right_logical3A_135 = arith.constant 14 : i32
    %shift_right_logical3A_136 = vector.broadcast %shift_right_logical3A_135 : i32 to vector<16xi32>
    %shift_right_logical3A_137 = arith.shrui %get3A_134, %shift_right_logical3A_136 : vector<16xi32>
    %swap3A_138 = arith.constant 0 : i32
    %swap3A_139 = arith.index_cast %swap3A_138 : i32 to index
    %swap3A_140 = arith.constant 32 : index
    %swap3A_141 = tpu.vector_load %arg6[%swap3A_139, %swap3A_140] {strides = array<i32>} : memref<2x80xi32, #tpu.memory_space<vmem>>, vector<1x16xi32>,
    %swap3A_142 = vector.shape_cast %swap3A_141 : vector<1x16xi32> to vector<16xi32>
    %swap3A_143 = vector.shape_cast %shift_right_logical3A_137 : vector<16xi32> to vector<1x16xi32>
    tpu.vector_store %arg6[%swap3A_139, %swap3A_140], %swap3A_143 {strides = array<i32>} : memref<2x80xi32, #tpu.memory_space<vmem>>, vector<1x16xi32>,
    %and3A_144 = arith.constant 16383 : i32
    %and3A_145 = vector.broadcast %and3A_144 : i32 to vector<16xi32>
    %and3A_146 = arith.andi %get3A_134, %and3A_145 : vector<16xi32>
    %swap3A_147 = arith.constant 0 : i32
    %swap3A_148 = arith.index_cast %swap3A_147 : i32 to index
    %swap3A_149 = arith.constant 32 : index
    %swap3A_150 = tpu.vector_load %arg7[%swap3A_148, %swap3A_149] {strides = array<i32>} : memref<2x80xi32, #tpu.memory_space<vmem>>, vector<1x16xi32>,
    %swap3A_151 = vector.shape_cast %swap3A_150 : vector<1x16xi32> to vector<16xi32>
    %swap3A_152 = vector.shape_cast %and3A_146 : vector<16xi32> to vector<1x16xi32>
    tpu.vector_store %arg7[%swap3A_148, %swap3A_149], %swap3A_152 {strides = array<i32>} : memref<2x80xi32, #tpu.memory_space<vmem>>, vector<1x16xi32>,
    %get3A_153 = arith.constant 0 : i32
    %get3A_154 = arith.index_cast %get3A_153 : i32 to index
    %get3A_155 = arith.constant 48 : index
    %get3A_156 = tpu.vector_load %arg5[%get3A_154, %get3A_155] {strides = array<i32>} : memref<125x80xi32, #tpu.memory_space<vmem>>, vector<1x16xi32>,
    %get3A_157 = vector.shape_cast %get3A_156 : vector<1x16xi32> to vector<16xi32>
    %shift_right_logical3A_158 = arith.constant 14 : i32
    %shift_right_logical3A_159 = vector.broadcast %shift_right_logical3A_158 : i32 to vector<16xi32>
    %shift_right_logical3A_160 = arith.shrui %get3A_157, %shift_right_logical3A_159 : vector<16xi32>
    %swap3A_161 = arith.constant 0 : i32
    %swap3A_162 = arith.index_cast %swap3A_161 : i32 to index
    %swap3A_163 = arith.constant 48 : index
    %swap3A_164 = tpu.vector_load %arg6[%swap3A_162, %swap3A_163] {strides = array<i32>} : memref<2x80xi32, #tpu.memory_space<vmem>>, vector<1x16xi32>,
    %swap3A_165 = vector.shape_cast %swap3A_164 : vector<1x16xi32> to vector<16xi32>
    %swap3A_166 = vector.shape_cast %shift_right_logical3A_160 : vector<16xi32> to vector<1x16xi32>
    tpu.vector_store %arg6[%swap3A_162, %swap3A_163], %swap3A_166 {strides = array<i32>} : memref<2x80xi32, #tpu.memory_space<vmem>>, vector<1x16xi32>,
    %and3A_167 = arith.constant 16383 : i32
    %and3A_168 = vector.broadcast %and3A_167 : i32 to vector<16xi32>
    %and3A_169 = arith.andi %get3A_157, %and3A_168 : vector<16xi32>
    %swap3A_170 = arith.constant 0 : i32
    %swap3A_171 = arith.index_cast %swap3A_170 : i32 to index
    %swap3A_172 = arith.constant 48 : index
    %swap3A_173 = tpu.vector_load %arg7[%swap3A_171, %swap3A_172] {strides = array<i32>} : memref<2x80xi32, #tpu.memory_space<vmem>>, vector<1x16xi32>,
    %swap3A_174 = vector.shape_cast %swap3A_173 : vector<1x16xi32> to vector<16xi32>
    %swap3A_175 = vector.shape_cast %and3A_169 : vector<16xi32> to vector<1x16xi32>
    tpu.vector_store %arg7[%swap3A_171, %swap3A_172], %swap3A_175 {strides = array<i32>} : memref<2x80xi32, #tpu.memory_space<vmem>>, vector<1x16xi32>,
    %get3A_176 = arith.constant 0 : i32
    %get3A_177 = arith.index_cast %get3A_176 : i32 to index
    %get3A_178 = arith.constant 64 : index
    %get3A_179 = tpu.vector_load %arg5[%get3A_177, %get3A_178] {strides = array<i32>} : memref<125x80xi32, #tpu.memory_space<vmem>>, vector<1x16xi32>,
    %get3A_180 = vector.shape_cast %get3A_179 : vector<1x16xi32> to vector<16xi32>
    %shift_right_logical3A_181 = arith.constant 14 : i32
    %shift_right_logical3A_182 = vector.broadcast %shift_right_logical3A_181 : i32 to vector<16xi32>
    %shift_right_logical3A_183 = arith.shrui %get3A_180, %shift_right_logical3A_182 : vector<16xi32>
    %swap3A_184 = arith.constant 0 : i32
    %swap3A_185 = arith.index_cast %swap3A_184 : i32 to index
    %swap3A_186 = arith.constant 64 : index
    %swap3A_187 = tpu.vector_load %arg6[%swap3A_185, %swap3A_186] {strides = array<i32>} : memref<2x80xi32, #tpu.memory_space<vmem>>, vector<1x16xi32>,
    %swap3A_188 = vector.shape_cast %swap3A_187 : vector<1x16xi32> to vector<16xi32>
    %swap3A_189 = vector.shape_cast %shift_right_logical3A_183 : vector<16xi32> to vector<1x16xi32>
    tpu.vector_store %arg6[%swap3A_185, %swap3A_186], %swap3A_189 {strides = array<i32>} : memref<2x80xi32, #tpu.memory_space<vmem>>, vector<1x16xi32>,
    %and3A_190 = arith.constant 16383 : i32
    %and3A_191 = vector.broadcast %and3A_190 : i32 to vector<16xi32>
    %and3A_192 = arith.andi %get3A_180, %and3A_191 : vector<16xi32>
    %swap3A_193 = arith.constant 0 : i32
    %swap3A_194 = arith.index_cast %swap3A_193 : i32 to index
    %swap3A_195 = arith.constant 64 : index
    %swap3A_196 = tpu.vector_load %arg7[%swap3A_194, %swap3A_195] {strides = array<i32>} : memref<2x80xi32, #tpu.memory_space<vmem>>, vector<1x16xi32>,
    %swap3A_197 = vector.shape_cast %swap3A_196 : vector<1x16xi32> to vector<16xi32>
    %swap3A_198 = vector.shape_cast %and3A_192 : vector<16xi32> to vector<1x16xi32>
    tpu.vector_store %arg7[%swap3A_194, %swap3A_195], %swap3A_198 {strides = array<i32>} : memref<2x80xi32, #tpu.memory_space<vmem>>, vector<1x16xi32>,
    %dma_start3A = arith.constant 0 : i32
    %dma_start3A_199 = arith.constant 0 : i32
    %dma_start3A_200 = arith.constant 0 : i32
    %dma_start3A_201 = arith.constant 0 : i32
    %dma_start3A_202 = tpu.memref_slice %arg8[%dma_start3A_199, %dma_start3A_200, %dma_start3A_201] : memref<2x80x128xf32, #tpu.memory_space<vmem>> -> memref<1x80x128xf32, #tpu.memory_space<vmem>>
    %dma_start3A_203 = tpu.memref_squeeze %dma_start3A_202 : memref<1x80x128xf32, #tpu.memory_space<vmem>> -> memref<80x128xf32, #tpu.memory_space<vmem>>
    %dma_start3A_204 = arith.constant 0 : i32
    %dma_start3A_205 = tpu.memref_slice %arg6[%dma_start3A, %dma_start3A_204] : memref<2x80xi32, #tpu.memory_space<vmem>> -> memref<1x80xi32, #tpu.memory_space<vmem>>
    %dma_start3A_206 = tpu.memref_squeeze %dma_start3A_205 : memref<1x80xi32, #tpu.memory_space<vmem>> -> memref<80xi32, #tpu.memory_space<vmem>>
    %dma_start3A_207 = arith.constant 0 : i32
    %dma_start3A_208 = arith.constant 0 : i32
    %dma_start3A_209 = tpu.memref_slice %arg3[%dma_start3A_207, %dma_start3A_208] : memref<10000x128xf32, #tpu.memory_space<hbm>> -> memref<10000x128xf32, #tpu.memory_space<hbm>>
    tpu.enqueue_indirect_dma source(%dma_start3A_209 : memref<10000x128xf32, #tpu.memory_space<hbm>>) target(%dma_start3A_203 : memref<80x128xf32, #tpu.memory_space<vmem>>) offsets(%dma_start3A_206 : memref<80xi32, #tpu.memory_space<vmem>>) semaphore(%arg11 : memref<!tpu.dma_semaphore, #tpu.memory_space<semaphore_mem>>)
    %scan3A_210 = arith.constant 0 : i32
    %scan3A_211 = arith.constant 0 : i32
    %scan3A_212 = arith.constant 125 : i32
    %scan3A_213 = arith.addi %scan3A_211, %scan3A_212 : i32
    %scan3A_214 = arith.constant 1 : i32
    scf.for %scan3A_233 = %scan3A_211 to %scan3A_213 step %scan3A_214  : i32 {
      %rem3A = arith.constant 2 : i32
      %rem3A_234 = arith.remsi %scan3A_233, %rem3A : i32
      %sub3A = arith.constant 1 : i32
      %sub3A_235 = arith.subi %sub3A, %rem3A_234 : i32
      %ge3A = arith.constant 1 : i32
      %ge3A_236 = arith.cmpi sge, %scan3A_233, %ge3A : i32
      %convert_element_type3A_237 = arith.extui %ge3A_236 : i1 to i32
      %cond3A_238 = arith.constant 0 : i32
      %cond3A_239 = arith.cmpi ne, %convert_element_type3A_237, %cond3A_238 : i32
      scf.if %cond3A_239 {
        %sub3A_266 = arith.constant 1 : i32
        %sub3A_267 = arith.subi %scan3A_233, %sub3A_266 : i32
        %dma_wait3A_268 = arith.constant 0 : i32
        %dma_wait3A_269 = arith.constant 0 : i32
        %dma_wait3A_270 = tpu.memref_slice %arg8[%sub3A_235, %dma_wait3A_268, %dma_wait3A_269] : memref<2x80x128xf32, #tpu.memory_space<vmem>> -> memref<1x80x128xf32, #tpu.memory_space<vmem>>
        %dma_wait3A_271 = tpu.memref_squeeze %dma_wait3A_270 : memref<1x80x128xf32, #tpu.memory_space<vmem>> -> memref<80x128xf32, #tpu.memory_space<vmem>>
        %dma_wait3A_272 = arith.constant 0 : i32
        %dma_wait3A_273 = tpu.memref_slice %arg7[%sub3A_235, %dma_wait3A_272] : memref<2x80xi32, #tpu.memory_space<vmem>> -> memref<1x80xi32, #tpu.memory_space<vmem>>
        %dma_wait3A_274 = tpu.memref_squeeze %dma_wait3A_273 : memref<1x80xi32, #tpu.memory_space<vmem>> -> memref<80xi32, #tpu.memory_space<vmem>>
        %dma_wait3A_275 = arith.constant 0 : i32
        %dma_wait3A_276 = arith.constant 0 : i32
        %dma_wait3A_277 = tpu.memref_slice %arg10[%dma_wait3A_275, %dma_wait3A_276] : memref<10000x128xf32, #tpu.memory_space<vmem_shared>> -> memref<10000x128xf32, #tpu.memory_space<vmem_shared>>
        tpu.wait_indirect_dma semaphore(%arg12 : memref<!tpu.dma_semaphore, #tpu.memory_space<semaphore_mem>>) src(%dma_wait3A_271 : memref<80x128xf32, #tpu.memory_space<vmem>>) dst(%dma_wait3A_277 : memref<10000x128xf32, #tpu.memory_space<vmem_shared>>)
      } else {
      }
      %add3A_240 = arith.constant 1 : i32
      %add3A_241 = arith.addi %scan3A_233, %add3A_240 : i32
      %lt3A = arith.constant 125 : i32
      %lt3A_242 = arith.cmpi slt, %add3A_241, %lt3A : i32
      %convert_element_type3A_243 = arith.extui %lt3A_242 : i1 to i32
      %cond3A_244 = arith.constant 0 : i32
      %cond3A_245 = arith.cmpi ne, %convert_element_type3A_243, %cond3A_244 : i32
      scf.if %cond3A_245 {
        %add3A_266 = arith.constant 1 : i32
        %add3A_267 = arith.addi %scan3A_233, %add3A_266 : i32
        %get3A_268 = arith.index_cast %add3A_267 : i32 to index
        %get3A_269 = arith.constant 0 : index
        %get3A_270 = tpu.vector_load %arg5[%get3A_268, %get3A_269] {strides = array<i32>} : memref<125x80xi32, #tpu.memory_space<vmem>>, vector<1x16xi32>,
        %get3A_271 = vector.shape_cast %get3A_270 : vector<1x16xi32> to vector<16xi32>
        %shift_right_logical3A_272 = arith.constant 14 : i32
        %shift_right_logical3A_273 = vector.broadcast %shift_right_logical3A_272 : i32 to vector<16xi32>
        %shift_right_logical3A_274 = arith.shrui %get3A_271, %shift_right_logical3A_273 : vector<16xi32>
        %swap3A_275 = arith.index_cast %sub3A_235 : i32 to index
        %swap3A_276 = arith.constant 0 : index
        %swap3A_277 = tpu.vector_load %arg6[%swap3A_275, %swap3A_276] {strides = array<i32>} : memref<2x80xi32, #tpu.memory_space<vmem>>, vector<1x16xi32>,
        %swap3A_278 = vector.shape_cast %swap3A_277 : vector<1x16xi32> to vector<16xi32>
        %swap3A_279 = vector.shape_cast %shift_right_logical3A_274 : vector<16xi32> to vector<1x16xi32>
        tpu.vector_store %arg6[%swap3A_275, %swap3A_276], %swap3A_279 {strides = array<i32>} : memref<2x80xi32, #tpu.memory_space<vmem>>, vector<1x16xi32>,
        %and3A_280 = arith.constant 16383 : i32
        %and3A_281 = vector.broadcast %and3A_280 : i32 to vector<16xi32>
        %and3A_282 = arith.andi %get3A_271, %and3A_281 : vector<16xi32>
        %swap3A_283 = arith.index_cast %sub3A_235 : i32 to index
        %swap3A_284 = arith.constant 0 : index
        %swap3A_285 = tpu.vector_load %arg7[%swap3A_283, %swap3A_284] {strides = array<i32>} : memref<2x80xi32, #tpu.memory_space<vmem>>, vector<1x16xi32>,
        %swap3A_286 = vector.shape_cast %swap3A_285 : vector<1x16xi32> to vector<16xi32>
        %swap3A_287 = vector.shape_cast %and3A_282 : vector<16xi32> to vector<1x16xi32>
        tpu.vector_store %arg7[%swap3A_283, %swap3A_284], %swap3A_287 {strides = array<i32>} : memref<2x80xi32, #tpu.memory_space<vmem>>, vector<1x16xi32>,
        %get3A_288 = arith.index_cast %add3A_267 : i32 to index
        %get3A_289 = arith.constant 16 : index
        %get3A_290 = tpu.vector_load %arg5[%get3A_288, %get3A_289] {strides = array<i32>} : memref<125x80xi32, #tpu.memory_space<vmem>>, vector<1x16xi32>,
        %get3A_291 = vector.shape_cast %get3A_290 : vector<1x16xi32> to vector<16xi32>
        %shift_right_logical3A_292 = arith.constant 14 : i32
        %shift_right_logical3A_293 = vector.broadcast %shift_right_logical3A_292 : i32 to vector<16xi32>
        %shift_right_logical3A_294 = arith.shrui %get3A_291, %shift_right_logical3A_293 : vector<16xi32>
        %swap3A_295 = arith.index_cast %sub3A_235 : i32 to index
        %swap3A_296 = arith.constant 16 : index
        %swap3A_297 = tpu.vector_load %arg6[%swap3A_295, %swap3A_296] {strides = array<i32>} : memref<2x80xi32, #tpu.memory_space<vmem>>, vector<1x16xi32>,
        %swap3A_298 = vector.shape_cast %swap3A_297 : vector<1x16xi32> to vector<16xi32>
        %swap3A_299 = vector.shape_cast %shift_right_logical3A_294 : vector<16xi32> to vector<1x16xi32>
        tpu.vector_store %arg6[%swap3A_295, %swap3A_296], %swap3A_299 {strides = array<i32>} : memref<2x80xi32, #tpu.memory_space<vmem>>, vector<1x16xi32>,
        %and3A_300 = arith.constant 16383 : i32
        %and3A_301 = vector.broadcast %and3A_300 : i32 to vector<16xi32>
        %and3A_302 = arith.andi %get3A_291, %and3A_301 : vector<16xi32>
        %swap3A_303 = arith.index_cast %sub3A_235 : i32 to index
        %swap3A_304 = arith.constant 16 : index
        %swap3A_305 = tpu.vector_load %arg7[%swap3A_303, %swap3A_304] {strides = array<i32>} : memref<2x80xi32, #tpu.memory_space<vmem>>, vector<1x16xi32>,
        %swap3A_306 = vector.shape_cast %swap3A_305 : vector<1x16xi32> to vector<16xi32>
        %swap3A_307 = vector.shape_cast %and3A_302 : vector<16xi32> to vector<1x16xi32>
        tpu.vector_store %arg7[%swap3A_303, %swap3A_304], %swap3A_307 {strides = array<i32>} : memref<2x80xi32, #tpu.memory_space<vmem>>, vector<1x16xi32>,
        %get3A_308 = arith.index_cast %add3A_267 : i32 to index
        %get3A_309 = arith.constant 32 : index
        %get3A_310 = tpu.vector_load %arg5[%get3A_308, %get3A_309] {strides = array<i32>} : memref<125x80xi32, #tpu.memory_space<vmem>>, vector<1x16xi32>,
        %get3A_311 = vector.shape_cast %get3A_310 : vector<1x16xi32> to vector<16xi32>
        %shift_right_logical3A_312 = arith.constant 14 : i32
        %shift_right_logical3A_313 = vector.broadcast %shift_right_logical3A_312 : i32 to vector<16xi32>
        %shift_right_logical3A_314 = arith.shrui %get3A_311, %shift_right_logical3A_313 : vector<16xi32>
        %swap3A_315 = arith.index_cast %sub3A_235 : i32 to index
        %swap3A_316 = arith.constant 32 : index
        %swap3A_317 = tpu.vector_load %arg6[%swap3A_315, %swap3A_316] {strides = array<i32>} : memref<2x80xi32, #tpu.memory_space<vmem>>, vector<1x16xi32>,
        %swap3A_318 = vector.shape_cast %swap3A_317 : vector<1x16xi32> to vector<16xi32>
        %swap3A_319 = vector.shape_cast %shift_right_logical3A_314 : vector<16xi32> to vector<1x16xi32>
        tpu.vector_store %arg6[%swap3A_315, %swap3A_316], %swap3A_319 {strides = array<i32>} : memref<2x80xi32, #tpu.memory_space<vmem>>, vector<1x16xi32>,
        %and3A_320 = arith.constant 16383 : i32
        %and3A_321 = vector.broadcast %and3A_320 : i32 to vector<16xi32>
        %and3A_322 = arith.andi %get3A_311, %and3A_321 : vector<16xi32>
        %swap3A_323 = arith.index_cast %sub3A_235 : i32 to index
        %swap3A_324 = arith.constant 32 : index
        %swap3A_325 = tpu.vector_load %arg7[%swap3A_323, %swap3A_324] {strides = array<i32>} : memref<2x80xi32, #tpu.memory_space<vmem>>, vector<1x16xi32>,
        %swap3A_326 = vector.shape_cast %swap3A_325 : vector<1x16xi32> to vector<16xi32>
        %swap3A_327 = vector.shape_cast %and3A_322 : vector<16xi32> to vector<1x16xi32>
        tpu.vector_store %arg7[%swap3A_323, %swap3A_324], %swap3A_327 {strides = array<i32>} : memref<2x80xi32, #tpu.memory_space<vmem>>, vector<1x16xi32>,
        %get3A_328 = arith.index_cast %add3A_267 : i32 to index
        %get3A_329 = arith.constant 48 : index
        %get3A_330 = tpu.vector_load %arg5[%get3A_328, %get3A_329] {strides = array<i32>} : memref<125x80xi32, #tpu.memory_space<vmem>>, vector<1x16xi32>,
        %get3A_331 = vector.shape_cast %get3A_330 : vector<1x16xi32> to vector<16xi32>
        %shift_right_logical3A_332 = arith.constant 14 : i32
        %shift_right_logical3A_333 = vector.broadcast %shift_right_logical3A_332 : i32 to vector<16xi32>
        %shift_right_logical3A_334 = arith.shrui %get3A_331, %shift_right_logical3A_333 : vector<16xi32>
        %swap3A_335 = arith.index_cast %sub3A_235 : i32 to index
        %swap3A_336 = arith.constant 48 : index
        %swap3A_337 = tpu.vector_load %arg6[%swap3A_335, %swap3A_336] {strides = array<i32>} : memref<2x80xi32, #tpu.memory_space<vmem>>, vector<1x16xi32>,
        %swap3A_338 = vector.shape_cast %swap3A_337 : vector<1x16xi32> to vector<16xi32>
        %swap3A_339 = vector.shape_cast %shift_right_logical3A_334 : vector<16xi32> to vector<1x16xi32>
        tpu.vector_store %arg6[%swap3A_335, %swap3A_336], %swap3A_339 {strides = array<i32>} : memref<2x80xi32, #tpu.memory_space<vmem>>, vector<1x16xi32>,
        %and3A_340 = arith.constant 16383 : i32
        %and3A_341 = vector.broadcast %and3A_340 : i32 to vector<16xi32>
        %and3A_342 = arith.andi %get3A_331, %and3A_341 : vector<16xi32>
        %swap3A_343 = arith.index_cast %sub3A_235 : i32 to index
        %swap3A_344 = arith.constant 48 : index
        %swap3A_345 = tpu.vector_load %arg7[%swap3A_343, %swap3A_344] {strides = array<i32>} : memref<2x80xi32, #tpu.memory_space<vmem>>, vector<1x16xi32>,
        %swap3A_346 = vector.shape_cast %swap3A_345 : vector<1x16xi32> to vector<16xi32>
        %swap3A_347 = vector.shape_cast %and3A_342 : vector<16xi32> to vector<1x16xi32>
        tpu.vector_store %arg7[%swap3A_343, %swap3A_344], %swap3A_347 {strides = array<i32>} : memref<2x80xi32, #tpu.memory_space<vmem>>, vector<1x16xi32>,
        %get3A_348 = arith.index_cast %add3A_267 : i32 to index
        %get3A_349 = arith.constant 64 : index
        %get3A_350 = tpu.vector_load %arg5[%get3A_348, %get3A_349] {strides = array<i32>} : memref<125x80xi32, #tpu.memory_space<vmem>>, vector<1x16xi32>,
        %get3A_351 = vector.shape_cast %get3A_350 : vector<1x16xi32> to vector<16xi32>
        %shift_right_logical3A_352 = arith.constant 14 : i32
        %shift_right_logical3A_353 = vector.broadcast %shift_right_logical3A_352 : i32 to vector<16xi32>
        %shift_right_logical3A_354 = arith.shrui %get3A_351, %shift_right_logical3A_353 : vector<16xi32>
        %swap3A_355 = arith.index_cast %sub3A_235 : i32 to index
        %swap3A_356 = arith.constant 64 : index
        %swap3A_357 = tpu.vector_load %arg6[%swap3A_355, %swap3A_356] {strides = array<i32>} : memref<2x80xi32, #tpu.memory_space<vmem>>, vector<1x16xi32>,
        %swap3A_358 = vector.shape_cast %swap3A_357 : vector<1x16xi32> to vector<16xi32>
        %swap3A_359 = vector.shape_cast %shift_right_logical3A_354 : vector<16xi32> to vector<1x16xi32>
        tpu.vector_store %arg6[%swap3A_355, %swap3A_356], %swap3A_359 {strides = array<i32>} : memref<2x80xi32, #tpu.memory_space<vmem>>, vector<1x16xi32>,
        %and3A_360 = arith.constant 16383 : i32
        %and3A_361 = vector.broadcast %and3A_360 : i32 to vector<16xi32>
        %and3A_362 = arith.andi %get3A_351, %and3A_361 : vector<16xi32>
        %swap3A_363 = arith.index_cast %sub3A_235 : i32 to index
        %swap3A_364 = arith.constant 64 : index
        %swap3A_365 = tpu.vector_load %arg7[%swap3A_363, %swap3A_364] {strides = array<i32>} : memref<2x80xi32, #tpu.memory_space<vmem>>, vector<1x16xi32>,
        %swap3A_366 = vector.shape_cast %swap3A_365 : vector<1x16xi32> to vector<16xi32>
        %swap3A_367 = vector.shape_cast %and3A_362 : vector<16xi32> to vector<1x16xi32>
        tpu.vector_store %arg7[%swap3A_363, %swap3A_364], %swap3A_367 {strides = array<i32>} : memref<2x80xi32, #tpu.memory_space<vmem>>, vector<1x16xi32>,
        %add3A_368 = arith.constant 1 : i32
        %add3A_369 = arith.addi %scan3A_233, %add3A_368 : i32
        %dma_start3A_370 = arith.constant 0 : i32
        %dma_start3A_371 = arith.constant 0 : i32
        %dma_start3A_372 = tpu.memref_slice %arg8[%sub3A_235, %dma_start3A_370, %dma_start3A_371] : memref<2x80x128xf32, #tpu.memory_space<vmem>> -> memref<1x80x128xf32, #tpu.memory_space<vmem>>
        %dma_start3A_373 = tpu.memref_squeeze %dma_start3A_372 : memref<1x80x128xf32, #tpu.memory_space<vmem>> -> memref<80x128xf32, #tpu.memory_space<vmem>>
        %dma_start3A_374 = arith.constant 0 : i32
        %dma_start3A_375 = tpu.memref_slice %arg6[%sub3A_235, %dma_start3A_374] : memref<2x80xi32, #tpu.memory_space<vmem>> -> memref<1x80xi32, #tpu.memory_space<vmem>>
        %dma_start3A_376 = tpu.memref_squeeze %dma_start3A_375 : memref<1x80xi32, #tpu.memory_space<vmem>> -> memref<80xi32, #tpu.memory_space<vmem>>
        %dma_start3A_377 = arith.constant 0 : i32
        %dma_start3A_378 = arith.constant 0 : i32
        %dma_start3A_379 = tpu.memref_slice %arg3[%dma_start3A_377, %dma_start3A_378] : memref<10000x128xf32, #tpu.memory_space<hbm>> -> memref<10000x128xf32, #tpu.memory_space<hbm>>
        tpu.enqueue_indirect_dma source(%dma_start3A_379 : memref<10000x128xf32, #tpu.memory_space<hbm>>) target(%dma_start3A_373 : memref<80x128xf32, #tpu.memory_space<vmem>>) offsets(%dma_start3A_376 : memref<80xi32, #tpu.memory_space<vmem>>) semaphore(%arg11 : memref<!tpu.dma_semaphore, #tpu.memory_space<semaphore_mem>>)
      } else {
      }
      %dma_wait3A_246 = arith.constant 0 : i32
      %dma_wait3A_247 = arith.constant 0 : i32
      %dma_wait3A_248 = tpu.memref_slice %arg8[%rem3A_234, %dma_wait3A_246, %dma_wait3A_247] : memref<2x80x128xf32, #tpu.memory_space<vmem>> -> memref<1x80x128xf32, #tpu.memory_space<vmem>>
      %dma_wait3A_249 = tpu.memref_squeeze %dma_wait3A_248 : memref<1x80x128xf32, #tpu.memory_space<vmem>> -> memref<80x128xf32, #tpu.memory_space<vmem>>
      %dma_wait3A_250 = arith.constant 0 : i32
      %dma_wait3A_251 = tpu.memref_slice %arg6[%rem3A_234, %dma_wait3A_250] : memref<2x80xi32, #tpu.memory_space<vmem>> -> memref<1x80xi32, #tpu.memory_space<vmem>>
      %dma_wait3A_252 = tpu.memref_squeeze %dma_wait3A_251 : memref<1x80xi32, #tpu.memory_space<vmem>> -> memref<80xi32, #tpu.memory_space<vmem>>
      %dma_wait3A_253 = arith.constant 0 : i32
      %dma_wait3A_254 = arith.constant 0 : i32
      %dma_wait3A_255 = tpu.memref_slice %arg3[%dma_wait3A_253, %dma_wait3A_254] : memref<10000x128xf32, #tpu.memory_space<hbm>> -> memref<10000x128xf32, #tpu.memory_space<hbm>>
      tpu.wait_indirect_dma semaphore(%arg11 : memref<!tpu.dma_semaphore, #tpu.memory_space<semaphore_mem>>) src(%dma_wait3A_255 : memref<10000x128xf32, #tpu.memory_space<hbm>>) dst(%dma_wait3A_249 : memref<80x128xf32, #tpu.memory_space<vmem>>)
      %dma_start3A_256 = arith.constant 0 : i32
      %dma_start3A_257 = arith.constant 0 : i32
      %dma_start3A_258 = tpu.memref_slice %arg8[%rem3A_234, %dma_start3A_256, %dma_start3A_257] : memref<2x80x128xf32, #tpu.memory_space<vmem>> -> memref<1x80x128xf32, #tpu.memory_space<vmem>>
      %dma_start3A_259 = tpu.memref_squeeze %dma_start3A_258 : memref<1x80x128xf32, #tpu.memory_space<vmem>> -> memref<80x128xf32, #tpu.memory_space<vmem>>
      %dma_start3A_260 = arith.constant 0 : i32
      %dma_start3A_261 = tpu.memref_slice %arg7[%rem3A_234, %dma_start3A_260] : memref<2x80xi32, #tpu.memory_space<vmem>> -> memref<1x80xi32, #tpu.memory_space<vmem>>
      %dma_start3A_262 = tpu.memref_squeeze %dma_start3A_261 : memref<1x80xi32, #tpu.memory_space<vmem>> -> memref<80xi32, #tpu.memory_space<vmem>>
      %dma_start3A_263 = arith.constant 0 : i32
      %dma_start3A_264 = arith.constant 0 : i32
      %dma_start3A_265 = tpu.memref_slice %arg10[%dma_start3A_263, %dma_start3A_264] : memref<10000x128xf32, #tpu.memory_space<vmem_shared>> -> memref<10000x128xf32, #tpu.memory_space<vmem_shared>>
      tpu.enqueue_indirect_dma source(%dma_start3A_259 : memref<80x128xf32, #tpu.memory_space<vmem>>) target(%dma_start3A_265 : memref<10000x128xf32, #tpu.memory_space<vmem_shared>>) offsets(%dma_start3A_262 : memref<80xi32, #tpu.memory_space<vmem>>) semaphore(%arg12 : memref<!tpu.dma_semaphore, #tpu.memory_space<semaphore_mem>>) {add = true}
    }
    %scan3A_215 = arith.constant 125 : i32
    %dma_wait3A = arith.constant 0 : i32
    %dma_wait3A_216 = arith.constant 0 : i32
    %dma_wait3A_217 = arith.constant 0 : i32
    %dma_wait3A_218 = arith.constant 0 : i32
    %dma_wait3A_219 = tpu.memref_slice %arg8[%dma_wait3A, %dma_wait3A_217, %dma_wait3A_218] : memref<2x80x128xf32, #tpu.memory_space<vmem>> -> memref<1x80x128xf32, #tpu.memory_space<vmem>>
    %dma_wait3A_220 = tpu.memref_squeeze %dma_wait3A_219 : memref<1x80x128xf32, #tpu.memory_space<vmem>> -> memref<80x128xf32, #tpu.memory_space<vmem>>
    %dma_wait3A_221 = arith.constant 0 : i32
    %dma_wait3A_222 = tpu.memref_slice %arg7[%dma_wait3A_216, %dma_wait3A_221] : memref<2x80xi32, #tpu.memory_space<vmem>> -> memref<1x80xi32, #tpu.memory_space<vmem>>
    %dma_wait3A_223 = tpu.memref_squeeze %dma_wait3A_222 : memref<1x80xi32, #tpu.memory_space<vmem>> -> memref<80xi32, #tpu.memory_space<vmem>>
    %dma_wait3A_224 = arith.constant 0 : i32
    %dma_wait3A_225 = arith.constant 0 : i32
    %dma_wait3A_226 = tpu.memref_slice %arg10[%dma_wait3A_224, %dma_wait3A_225] : memref<10000x128xf32, #tpu.memory_space<vmem_shared>> -> memref<10000x128xf32, #tpu.memory_space<vmem_shared>>
    tpu.wait_indirect_dma semaphore(%arg12 : memref<!tpu.dma_semaphore, #tpu.memory_space<semaphore_mem>>) src(%dma_wait3A_220 : memref<80x128xf32, #tpu.memory_space<vmem>>) dst(%dma_wait3A_226 : memref<10000x128xf32, #tpu.memory_space<vmem_shared>>)
    %barrier3A_227 = arith.constant 0 : index
    tpu.barrier barrier_id(%barrier3A_227)
    "tpu.region"() ({
      %run_scoped3A = tpu.sem_alloc : memref<!tpu.dma_semaphore, #tpu.memory_space<semaphore_mem>>
      %dma_start3A_233 = arith.constant 0 : i32
      %dma_start3A_234 = tpu.memref_slice %arg4[%arg0, %mul3A_7, %dma_start3A_233] : memref<2x10000x128xf32, #tpu.memory_space<hbm>> -> memref<1x624x128xf32, #tpu.memory_space<hbm>>
      %dma_start3A_235 = tpu.memref_squeeze %dma_start3A_234 : memref<1x624x128xf32, #tpu.memory_space<hbm>> -> memref<624x128xf32, #tpu.memory_space<hbm>>
      %dma_start3A_236 = arith.constant 0 : i32
      %dma_start3A_237 = tpu.memref_slice %arg10[%mul3A_7, %dma_start3A_236] : memref<10000x128xf32, #tpu.memory_space<vmem_shared>> -> memref<624x128xf32, #tpu.memory_space<vmem_shared>>
      tpu.enqueue_dma source(%dma_start3A_237 : memref<624x128xf32, #tpu.memory_space<vmem_shared>>) target(%dma_start3A_235 : memref<624x128xf32, #tpu.memory_space<hbm>>) target_semaphore(%run_scoped3A : memref<!tpu.dma_semaphore, #tpu.memory_space<semaphore_mem>>)
      %dma_wait3A_238 = arith.constant 0 : i32
      %dma_wait3A_239 = tpu.memref_slice %arg4[%arg0, %mul3A_7, %dma_wait3A_238] : memref<2x10000x128xf32, #tpu.memory_space<hbm>> -> memref<1x624x128xf32, #tpu.memory_space<hbm>>
      %dma_wait3A_240 = tpu.memref_squeeze %dma_wait3A_239 : memref<1x624x128xf32, #tpu.memory_space<hbm>> -> memref<624x128xf32, #tpu.memory_space<hbm>>
      %dma_wait3A_241 = arith.constant 0 : i32
      %dma_wait3A_242 = tpu.memref_slice %arg10[%mul3A_7, %dma_wait3A_241] : memref<10000x128xf32, #tpu.memory_space<vmem_shared>> -> memref<624x128xf32, #tpu.memory_space<vmem_shared>>
      tpu.wait_dma2 semaphore(%run_scoped3A : memref<!tpu.dma_semaphore, #tpu.memory_space<semaphore_mem>>) src(%dma_wait3A_242 : memref<624x128xf32, #tpu.memory_space<vmem_shared>>) dst(%dma_wait3A_240 : memref<624x128xf32, #tpu.memory_space<hbm>>)
      tpu.yield
    }) : () -> ()
    %eq3A_228 = arith.constant 15 : i32
    %eq3A_229 = arith.cmpi eq, %arg1, %eq3A_228 : i32
    %convert_element_type3A_230 = arith.extui %eq3A_229 : i1 to i32
    %cond3A_231 = arith.constant 0 : i32
    %cond3A_232 = arith.cmpi ne, %convert_element_type3A_230, %cond3A_231 : i32
    scf.if %cond3A_232 {
      "tpu.region"() ({
        %run_scoped3A = tpu.sem_alloc : memref<!tpu.dma_semaphore, #tpu.memory_space<semaphore_mem>>
        %dma_start3A_233 = arith.constant 9984 : i32
        %dma_start3A_234 = arith.constant 0 : i32
        %dma_start3A_235 = tpu.memref_slice %arg4[%arg0, %dma_start3A_233, %dma_start3A_234] : memref<2x10000x128xf32, #tpu.memory_space<hbm>> -> memref<1x16x128xf32, #tpu.memory_space<hbm>>
        %dma_start3A_236 = tpu.memref_squeeze %dma_start3A_235 : memref<1x16x128xf32, #tpu.memory_space<hbm>> -> memref<16x128xf32, #tpu.memory_space<hbm>>
        %dma_start3A_237 = arith.constant 9984 : i32
        %dma_start3A_238 = arith.constant 0 : i32
        %dma_start3A_239 = tpu.memref_slice %arg10[%dma_start3A_237, %dma_start3A_238] : memref<10000x128xf32, #tpu.memory_space<vmem_shared>> -> memref<16x128xf32, #tpu.memory_space<vmem_shared>>
        tpu.enqueue_dma source(%dma_start3A_239 : memref<16x128xf32, #tpu.memory_space<vmem_shared>>) target(%dma_start3A_236 : memref<16x128xf32, #tpu.memory_space<hbm>>) target_semaphore(%run_scoped3A : memref<!tpu.dma_semaphore, #tpu.memory_space<semaphore_mem>>)
        %dma_wait3A_240 = arith.constant 9984 : i32
        %dma_wait3A_241 = arith.constant 0 : i32
        %dma_wait3A_242 = tpu.memref_slice %arg4[%arg0, %dma_wait3A_240, %dma_wait3A_241] : memref<2x10000x128xf32, #tpu.memory_space<hbm>> -> memref<1x16x128xf32, #tpu.memory_space<hbm>>
        %dma_wait3A_243 = tpu.memref_squeeze %dma_wait3A_242 : memref<1x16x128xf32, #tpu.memory_space<hbm>> -> memref<16x128xf32, #tpu.memory_space<hbm>>
        %dma_wait3A_244 = arith.constant 9984 : i32
        %dma_wait3A_245 = arith.constant 0 : i32
        %dma_wait3A_246 = tpu.memref_slice %arg10[%dma_wait3A_244, %dma_wait3A_245] : memref<10000x128xf32, #tpu.memory_space<vmem_shared>> -> memref<16x128xf32, #tpu.memory_space<vmem_shared>>
        tpu.wait_dma2 semaphore(%run_scoped3A : memref<!tpu.dma_semaphore, #tpu.memory_space<semaphore_mem>>) src(%dma_wait3A_246 : memref<16x128xf32, #tpu.memory_space<vmem_shared>>) dst(%dma_wait3A_243 : memref<16x128xf32, #tpu.memory_space<hbm>>)
        tpu.yield
      }) : () -> ()
    } else {
    }
    return
  }
}

module attributes {stable_mosaic.version = 14 : i64} {
  func.func @_hyplinear_body(%arg0: i32, %arg1: memref<1000x128xf32, #tpu.memory_space<vmem>>, %arg2: memref<128x128xf32, #tpu.memory_space<vmem>>, %arg3: memref<1x128xf32, #tpu.memory_space<vmem>>, %arg4: memref<1000x128xf32, #tpu.memory_space<vmem>>) attributes {dimension_semantics = [#tpu.dimension_semantics<arbitrary>], iteration_bounds = array<i64: 10>, scalar_prefetch = 0 : i64, scratch_operands = 0 : i64, tpu.core_type = #tpu.core_type<tc>, window_params = [{transform_indices = @transform_0, window_bounds = array<i64: 1000, 128>}, {pipeline_mode = #tpu.pipeline_mode<synchronous>, transform_indices = @transform_1, window_bounds = array<i64: 128, 128>}, {pipeline_mode = #tpu.pipeline_mode<synchronous>, transform_indices = @transform_2, window_bounds = array<i64: 1, 128>}, {transform_indices = @transform_3, window_bounds = array<i64: 1000, 128>}]} {
    %get3A = arith.constant 0 : index
    %get3A_0 = arith.constant 0 : index
    %get3A_1 = vector.load %arg1[%get3A, %get3A_0] : memref<1000x128xf32, #tpu.memory_space<vmem>>, vector<1000x128xf32>
    %get3A_2 = arith.constant 0 : index
    %get3A_3 = arith.constant 0 : index
    %get3A_4 = vector.load %arg2[%get3A_2, %get3A_3] : memref<128x128xf32, #tpu.memory_space<vmem>>, vector<128x128xf32>
    %get3A_5 = arith.constant 0 : index
    %get3A_6 = arith.constant 0 : index
    %get3A_7 = vector.load %arg3[%get3A_5, %get3A_6] : memref<1x128xf32, #tpu.memory_space<vmem>>, vector<1x128xf32>
    %mul3A = arith.mulf %get3A_1, %get3A_1 : vector<1000x128xf32>
    %reduce_sum3A = arith.constant dense<0.000000e+00> : vector<1000xf32>
    %reduce_sum3A_8 = vector.multi_reduction <add>, %mul3A, %reduce_sum3A [1] : vector<1000x128xf32> to vector<1000xf32>
    %broadcast_in_dim3A = vector.shape_cast %reduce_sum3A_8 : vector<1000xf32> to vector<1000x1xf32>
    %sqrt3A = math.sqrt %broadcast_in_dim3A : vector<1000x1xf32>
    %jit3A = arith.constant 1.000000e-15 : f32
    %max3A = vector.broadcast %jit3A : f32 to vector<1000x1xf32>
    %max3A_9 = arith.maximumf %max3A, %sqrt3A : vector<1000x1xf32>
    %dot_general3A = arith.constant dense<0.000000e+00> : vector<1000x128xf32>
    %dot_general3A_10 = tpu.matmul %get3A_1, %get3A_4, %dot_general3A {dimension_numbers = #tpu.dot_dimension_numbers<[1], [1], [0], [0], [0, 0, 1, 0], [], []>, transpose_lhs_hint = false} : vector<1000x128xf32>, vector<128x128xf32>, vector<1000x128xf32> -> vector<1000x128xf32>
    %mul3A_11 = arith.mulf %dot_general3A_10, %dot_general3A_10 : vector<1000x128xf32>
    %reduce_sum3A_12 = arith.constant dense<0.000000e+00> : vector<1000xf32>
    %reduce_sum3A_13 = vector.multi_reduction <add>, %mul3A_11, %reduce_sum3A_12 [1] : vector<1000x128xf32> to vector<1000xf32>
    %broadcast_in_dim3A_14 = vector.shape_cast %reduce_sum3A_13 : vector<1000xf32> to vector<1000x1xf32>
    %sqrt3A_15 = math.sqrt %broadcast_in_dim3A_14 : vector<1000x1xf32>
    %jit3A_16 = arith.constant 1.000000e-15 : f32
    %max3A_17 = vector.broadcast %jit3A_16 : f32 to vector<1000x1xf32>
    %max3A_18 = arith.maximumf %max3A_17, %sqrt3A_15 : vector<1000x1xf32>
    %div3A = arith.divf %max3A_18, %max3A_9 : vector<1000x1xf32>
    %jit3A_19 = arith.constant -0.99999988 : f32
    %jit3A_20 = arith.constant 0.99999988 : f32
    %max3A_21 = vector.broadcast %jit3A_19 : f32 to vector<1000x1xf32>
    %max3A_22 = arith.maximumf %max3A_21, %max3A_9 : vector<1000x1xf32>
    %min3A = vector.broadcast %jit3A_20 : f32 to vector<1000x1xf32>
    %min3A_23 = arith.minimumf %min3A, %max3A_22 : vector<1000x1xf32>
    %add3A = arith.constant 1.000000e+00 : f32
    %add3A_24 = vector.broadcast %add3A : f32 to vector<1000x1xf32>
    %add3A_25 = arith.addf %add3A_24, %min3A_23 : vector<1000x1xf32>
    %sub3A = arith.constant 1.000000e+00 : f32
    %sub3A_26 = vector.broadcast %sub3A : f32 to vector<1000x1xf32>
    %sub3A_27 = arith.subf %sub3A_26, %min3A_23 : vector<1000x1xf32>
    %div3A_28 = arith.divf %add3A_25, %sub3A_27 : vector<1000x1xf32>
    %log3A = math.log %div3A_28 : vector<1000x1xf32>
    %mul3A_29 = arith.constant 5.000000e-01 : f32
    %mul3A_30 = vector.broadcast %mul3A_29 : f32 to vector<1000x1xf32>
    %mul3A_31 = arith.mulf %mul3A_30, %log3A : vector<1000x1xf32>
    %mul3A_32 = arith.mulf %div3A, %mul3A_31 : vector<1000x1xf32>
    %tanh3A = math.tanh %mul3A_32 : vector<1000x1xf32>
    %mul3A_33 = vector.broadcast %tanh3A : vector<1000x1xf32> to vector<1000x128xf32>
    %mul3A_34 = arith.mulf %mul3A_33, %dot_general3A_10 : vector<1000x128xf32>
    %div3A_35 = vector.broadcast %max3A_18 : vector<1000x1xf32> to vector<1000x128xf32>
    %div3A_36 = arith.divf %mul3A_34, %div3A_35 : vector<1000x128xf32>
    %abs3A = math.absf %dot_general3A_10 : vector<1000x128xf32>
    %reduce_max3A = arith.constant dense<0xFF800000> : vector<1000xf32>
    %reduce_max3A_37 = vector.multi_reduction <maximumf>, %abs3A, %reduce_max3A [1] : vector<1000x128xf32> to vector<1000xf32>
    %broadcast_in_dim3A_38 = vector.shape_cast %reduce_max3A_37 : vector<1000xf32> to vector<1000x1xf32>
    %eq3A = arith.constant 0.000000e+00 : f32
    %eq3A_39 = vector.broadcast %eq3A : f32 to vector<1000x1xf32>
    %eq3A_40 = arith.cmpf oeq, %broadcast_in_dim3A_38, %eq3A_39 : vector<1000x1xf32>
    %jit3A_41 = arith.constant 0.000000e+00 : f32
    %broadcast_in_dim3A_42 = vector.shape_cast %eq3A_40 : vector<1000x1xi1> to vector<1000x1xi1>
    %broadcast_in_dim3A_43 = vector.broadcast %broadcast_in_dim3A_42 : vector<1000x1xi1> to vector<1000x128xi1>
    %broadcast_in_dim3A_44 = vector.broadcast %jit3A_41 : f32 to vector<1000x128xf32>
    %select_n3A = arith.select %broadcast_in_dim3A_43, %broadcast_in_dim3A_44, %div3A_36 : vector<1000x128xi1>, vector<1000x128xf32>
    %mul3A_45 = arith.mulf %select_n3A, %select_n3A : vector<1000x128xf32>
    %reduce_sum3A_46 = arith.constant dense<0.000000e+00> : vector<1000xf32>
    %reduce_sum3A_47 = vector.multi_reduction <add>, %mul3A_45, %reduce_sum3A_46 [1] : vector<1000x128xf32> to vector<1000xf32>
    %broadcast_in_dim3A_48 = vector.shape_cast %reduce_sum3A_47 : vector<1000xf32> to vector<1000x1xf32>
    %sqrt3A_49 = math.sqrt %broadcast_in_dim3A_48 : vector<1000x1xf32>
    %jit3A_50 = arith.constant 1.000000e-15 : f32
    %max3A_51 = vector.broadcast %jit3A_50 : f32 to vector<1000x1xf32>
    %max3A_52 = arith.maximumf %max3A_51, %sqrt3A_49 : vector<1000x1xf32>
    %gt3A = arith.constant 0.999989986 : f32
    %gt3A_53 = vector.broadcast %gt3A : f32 to vector<1000x1xf32>
    %gt3A_54 = arith.cmpf ogt, %max3A_52, %gt3A_53 : vector<1000x1xf32>
    %div3A_55 = vector.broadcast %max3A_52 : vector<1000x1xf32> to vector<1000x128xf32>
    %div3A_56 = arith.divf %select_n3A, %div3A_55 : vector<1000x128xf32>
    %mul3A_57 = arith.constant 0.999989986 : f32
    %mul3A_58 = vector.broadcast %mul3A_57 : f32 to vector<1000x128xf32>
    %mul3A_59 = arith.mulf %div3A_56, %mul3A_58 : vector<1000x128xf32>
    %broadcast_in_dim3A_60 = vector.shape_cast %gt3A_54 : vector<1000x1xi1> to vector<1000x1xi1>
    %broadcast_in_dim3A_61 = vector.broadcast %broadcast_in_dim3A_60 : vector<1000x1xi1> to vector<1000x128xi1>
    %select_n3A_62 = arith.select %broadcast_in_dim3A_61, %mul3A_59, %select_n3A : vector<1000x128xi1>, vector<1000x128xf32>
    %mul3A_63 = arith.mulf %get3A_7, %get3A_7 : vector<1x128xf32>
    %reduce_sum3A_64 = arith.constant dense<0.000000e+00> : vector<1xf32>
    %reduce_sum3A_65 = vector.multi_reduction <add>, %mul3A_63, %reduce_sum3A_64 [1] : vector<1x128xf32> to vector<1xf32>
    %broadcast_in_dim3A_66 = vector.shape_cast %reduce_sum3A_65 : vector<1xf32> to vector<1x1xf32>
    %sqrt3A_67 = math.sqrt %broadcast_in_dim3A_66 : vector<1x1xf32>
    %jit3A_68 = arith.constant 1.000000e-15 : f32
    %max3A_69 = vector.broadcast %jit3A_68 : f32 to vector<1x1xf32>
    %max3A_70 = arith.maximumf %max3A_69, %sqrt3A_67 : vector<1x1xf32>
    %tanh3A_71 = math.tanh %max3A_70 : vector<1x1xf32>
    %mul3A_72 = vector.broadcast %tanh3A_71 : vector<1x1xf32> to vector<1x128xf32>
    %mul3A_73 = arith.mulf %mul3A_72, %get3A_7 : vector<1x128xf32>
    %div3A_74 = vector.broadcast %max3A_70 : vector<1x1xf32> to vector<1x128xf32>
    %div3A_75 = arith.divf %mul3A_73, %div3A_74 : vector<1x128xf32>
    %mul3A_76 = arith.mulf %div3A_75, %div3A_75 : vector<1x128xf32>
    %reduce_sum3A_77 = arith.constant dense<0.000000e+00> : vector<1xf32>
    %reduce_sum3A_78 = vector.multi_reduction <add>, %mul3A_76, %reduce_sum3A_77 [1] : vector<1x128xf32> to vector<1xf32>
    %broadcast_in_dim3A_79 = vector.shape_cast %reduce_sum3A_78 : vector<1xf32> to vector<1x1xf32>
    %sqrt3A_80 = math.sqrt %broadcast_in_dim3A_79 : vector<1x1xf32>
    %jit3A_81 = arith.constant 1.000000e-15 : f32
    %max3A_82 = vector.broadcast %jit3A_81 : f32 to vector<1x1xf32>
    %max3A_83 = arith.maximumf %max3A_82, %sqrt3A_80 : vector<1x1xf32>
    %gt3A_84 = arith.constant 0.999989986 : f32
    %gt3A_85 = vector.broadcast %gt3A_84 : f32 to vector<1x1xf32>
    %gt3A_86 = arith.cmpf ogt, %max3A_83, %gt3A_85 : vector<1x1xf32>
    %div3A_87 = vector.broadcast %max3A_83 : vector<1x1xf32> to vector<1x128xf32>
    %div3A_88 = arith.divf %div3A_75, %div3A_87 : vector<1x128xf32>
    %mul3A_89 = arith.constant 0.999989986 : f32
    %mul3A_90 = vector.broadcast %mul3A_89 : f32 to vector<1x128xf32>
    %mul3A_91 = arith.mulf %div3A_88, %mul3A_90 : vector<1x128xf32>
    %broadcast_in_dim3A_92 = vector.shape_cast %gt3A_86 : vector<1x1xi1> to vector<1x1xi1>
    %broadcast_in_dim3A_93 = vector.broadcast %broadcast_in_dim3A_92 : vector<1x1xi1> to vector<1x128xi1>
    %select_n3A_94 = arith.select %broadcast_in_dim3A_93, %mul3A_91, %div3A_75 : vector<1x128xi1>, vector<1x128xf32>
    %mul3A_95 = arith.mulf %select_n3A_62, %select_n3A_62 : vector<1000x128xf32>
    %reduce_sum3A_96 = arith.constant dense<0.000000e+00> : vector<1000xf32>
    %reduce_sum3A_97 = vector.multi_reduction <add>, %mul3A_95, %reduce_sum3A_96 [1] : vector<1000x128xf32> to vector<1000xf32>
    %broadcast_in_dim3A_98 = vector.shape_cast %reduce_sum3A_97 : vector<1000xf32> to vector<1000x1xf32>
    %mul3A_99 = arith.mulf %select_n3A_94, %select_n3A_94 : vector<1x128xf32>
    %reduce_sum3A_100 = arith.constant dense<0.000000e+00> : vector<1xf32>
    %reduce_sum3A_101 = vector.multi_reduction <add>, %mul3A_99, %reduce_sum3A_100 [1] : vector<1x128xf32> to vector<1xf32>
    %broadcast_in_dim3A_102 = vector.shape_cast %reduce_sum3A_101 : vector<1xf32> to vector<1x1xf32>
    %mul3A_103 = vector.broadcast %select_n3A_94 : vector<1x128xf32> to vector<1000x128xf32>
    %mul3A_104 = arith.mulf %select_n3A_62, %mul3A_103 : vector<1000x128xf32>
    %reduce_sum3A_105 = arith.constant dense<0.000000e+00> : vector<1000xf32>
    %reduce_sum3A_106 = vector.multi_reduction <add>, %mul3A_104, %reduce_sum3A_105 [1] : vector<1000x128xf32> to vector<1000xf32>
    %broadcast_in_dim3A_107 = vector.shape_cast %reduce_sum3A_106 : vector<1000xf32> to vector<1000x1xf32>
    %mul3A_108 = arith.constant 2.000000e+00 : f32
    %mul3A_109 = vector.broadcast %mul3A_108 : f32 to vector<1000x1xf32>
    %mul3A_110 = arith.mulf %mul3A_109, %broadcast_in_dim3A_107 : vector<1000x1xf32>
    %add3A_111 = arith.constant 1.000000e+00 : f32
    %add3A_112 = vector.broadcast %add3A_111 : f32 to vector<1000x1xf32>
    %add3A_113 = arith.addf %add3A_112, %mul3A_110 : vector<1000x1xf32>
    %add3A_114 = vector.broadcast %broadcast_in_dim3A_102 : vector<1x1xf32> to vector<1000x1xf32>
    %add3A_115 = arith.addf %add3A_113, %add3A_114 : vector<1000x1xf32>
    %mul3A_116 = vector.broadcast %add3A_115 : vector<1000x1xf32> to vector<1000x128xf32>
    %mul3A_117 = arith.mulf %mul3A_116, %select_n3A_62 : vector<1000x128xf32>
    %sub3A_118 = arith.constant 1.000000e+00 : f32
    %sub3A_119 = vector.broadcast %sub3A_118 : f32 to vector<1000x1xf32>
    %sub3A_120 = arith.subf %sub3A_119, %broadcast_in_dim3A_98 : vector<1000x1xf32>
    %mul3A_121 = vector.broadcast %sub3A_120 : vector<1000x1xf32> to vector<1000x128xf32>
    %mul3A_122 = vector.broadcast %select_n3A_94 : vector<1x128xf32> to vector<1000x128xf32>
    %mul3A_123 = arith.mulf %mul3A_121, %mul3A_122 : vector<1000x128xf32>
    %add3A_124 = arith.addf %mul3A_117, %mul3A_123 : vector<1000x128xf32>
    %mul3A_125 = arith.constant 2.000000e+00 : f32
    %mul3A_126 = vector.broadcast %mul3A_125 : f32 to vector<1000x1xf32>
    %mul3A_127 = arith.mulf %mul3A_126, %broadcast_in_dim3A_107 : vector<1000x1xf32>
    %add3A_128 = arith.constant 1.000000e+00 : f32
    %add3A_129 = vector.broadcast %add3A_128 : f32 to vector<1000x1xf32>
    %add3A_130 = arith.addf %add3A_129, %mul3A_127 : vector<1000x1xf32>
    %mul3A_131 = vector.broadcast %broadcast_in_dim3A_102 : vector<1x1xf32> to vector<1000x1xf32>
    %mul3A_132 = arith.mulf %broadcast_in_dim3A_98, %mul3A_131 : vector<1000x1xf32>
    %add3A_133 = arith.addf %add3A_130, %mul3A_132 : vector<1000x1xf32>
    %jit3A_134 = arith.constant 1.000000e-15 : f32
    %max3A_135 = vector.broadcast %jit3A_134 : f32 to vector<1000x1xf32>
    %max3A_136 = arith.maximumf %max3A_135, %add3A_133 : vector<1000x1xf32>
    %div3A_137 = vector.broadcast %max3A_136 : vector<1000x1xf32> to vector<1000x128xf32>
    %div3A_138 = arith.divf %add3A_124, %div3A_137 : vector<1000x128xf32>
    %mul3A_139 = arith.mulf %div3A_138, %div3A_138 : vector<1000x128xf32>
    %reduce_sum3A_140 = arith.constant dense<0.000000e+00> : vector<1000xf32>
    %reduce_sum3A_141 = vector.multi_reduction <add>, %mul3A_139, %reduce_sum3A_140 [1] : vector<1000x128xf32> to vector<1000xf32>
    %broadcast_in_dim3A_142 = vector.shape_cast %reduce_sum3A_141 : vector<1000xf32> to vector<1000x1xf32>
    %sqrt3A_143 = math.sqrt %broadcast_in_dim3A_142 : vector<1000x1xf32>
    %jit3A_144 = arith.constant 1.000000e-15 : f32
    %max3A_145 = vector.broadcast %jit3A_144 : f32 to vector<1000x1xf32>
    %max3A_146 = arith.maximumf %max3A_145, %sqrt3A_143 : vector<1000x1xf32>
    %gt3A_147 = arith.constant 0.999989986 : f32
    %gt3A_148 = vector.broadcast %gt3A_147 : f32 to vector<1000x1xf32>
    %gt3A_149 = arith.cmpf ogt, %max3A_146, %gt3A_148 : vector<1000x1xf32>
    %div3A_150 = vector.broadcast %max3A_146 : vector<1000x1xf32> to vector<1000x128xf32>
    %div3A_151 = arith.divf %div3A_138, %div3A_150 : vector<1000x128xf32>
    %mul3A_152 = arith.constant 0.999989986 : f32
    %mul3A_153 = vector.broadcast %mul3A_152 : f32 to vector<1000x128xf32>
    %mul3A_154 = arith.mulf %div3A_151, %mul3A_153 : vector<1000x128xf32>
    %broadcast_in_dim3A_155 = vector.shape_cast %gt3A_149 : vector<1000x1xi1> to vector<1000x1xi1>
    %broadcast_in_dim3A_156 = vector.broadcast %broadcast_in_dim3A_155 : vector<1000x1xi1> to vector<1000x128xi1>
    %select_n3A_157 = arith.select %broadcast_in_dim3A_156, %mul3A_154, %div3A_138 : vector<1000x128xi1>, vector<1000x128xf32>
    %mul3A_158 = arith.mulf %select_n3A_157, %select_n3A_157 : vector<1000x128xf32>
    %reduce_sum3A_159 = arith.constant dense<0.000000e+00> : vector<1000xf32>
    %reduce_sum3A_160 = vector.multi_reduction <add>, %mul3A_158, %reduce_sum3A_159 [1] : vector<1000x128xf32> to vector<1000xf32>
    %broadcast_in_dim3A_161 = vector.shape_cast %reduce_sum3A_160 : vector<1000xf32> to vector<1000x1xf32>
    %sqrt3A_162 = math.sqrt %broadcast_in_dim3A_161 : vector<1000x1xf32>
    %jit3A_163 = arith.constant 1.000000e-15 : f32
    %max3A_164 = vector.broadcast %jit3A_163 : f32 to vector<1000x1xf32>
    %max3A_165 = arith.maximumf %max3A_164, %sqrt3A_162 : vector<1000x1xf32>
    %div3A_166 = vector.broadcast %max3A_165 : vector<1000x1xf32> to vector<1000x128xf32>
    %div3A_167 = arith.divf %select_n3A_157, %div3A_166 : vector<1000x128xf32>
    %jit3A_168 = arith.constant -0.99999988 : f32
    %jit3A_169 = arith.constant 0.99999988 : f32
    %max3A_170 = vector.broadcast %jit3A_168 : f32 to vector<1000x1xf32>
    %max3A_171 = arith.maximumf %max3A_170, %max3A_165 : vector<1000x1xf32>
    %min3A_172 = vector.broadcast %jit3A_169 : f32 to vector<1000x1xf32>
    %min3A_173 = arith.minimumf %min3A_172, %max3A_171 : vector<1000x1xf32>
    %add3A_174 = arith.constant 1.000000e+00 : f32
    %add3A_175 = vector.broadcast %add3A_174 : f32 to vector<1000x1xf32>
    %add3A_176 = arith.addf %add3A_175, %min3A_173 : vector<1000x1xf32>
    %sub3A_177 = arith.constant 1.000000e+00 : f32
    %sub3A_178 = vector.broadcast %sub3A_177 : f32 to vector<1000x1xf32>
    %sub3A_179 = arith.subf %sub3A_178, %min3A_173 : vector<1000x1xf32>
    %div3A_180 = arith.divf %add3A_176, %sub3A_179 : vector<1000x1xf32>
    %log3A_181 = math.log %div3A_180 : vector<1000x1xf32>
    %mul3A_182 = arith.constant 5.000000e-01 : f32
    %mul3A_183 = vector.broadcast %mul3A_182 : f32 to vector<1000x1xf32>
    %mul3A_184 = arith.mulf %mul3A_183, %log3A_181 : vector<1000x1xf32>
    %mul3A_185 = vector.broadcast %mul3A_184 : vector<1000x1xf32> to vector<1000x128xf32>
    %mul3A_186 = arith.mulf %div3A_167, %mul3A_185 : vector<1000x128xf32>
    %swap3A = arith.constant 0 : index
    %swap3A_187 = arith.constant 0 : index
    %swap3A_188 = vector.load %arg4[%swap3A, %swap3A_187] : memref<1000x128xf32, #tpu.memory_space<vmem>>, vector<1000x128xf32>
    tpu.vector_store %arg4[%swap3A, %swap3A_187], %mul3A_186 {strides = array<i32>} : memref<1000x128xf32, #tpu.memory_space<vmem>>, vector<1000x128xf32>,
    return
  }
  func.func @transform_0(%arg0: i32) -> (i32, i32) {
    %c0_i32 = arith.constant 0 : i32
    %c0_i32_0 = arith.constant 0 : i32
    return %arg0, %c0_i32 : i32, i32
  }
  func.func @transform_1(%arg0: i32) -> (i32, i32) {
    %c0_i32 = arith.constant 0 : i32
    %c0_i32_0 = arith.constant 0 : i32
    %c0_i32_1 = arith.constant 0 : i32
    return %c0_i32, %c0_i32_0 : i32, i32
  }
  func.func @transform_2(%arg0: i32) -> (i32, i32) {
    %c0_i32 = arith.constant 0 : i32
    %c0_i32_0 = arith.constant 0 : i32
    %c0_i32_1 = arith.constant 0 : i32
    return %c0_i32, %c0_i32_0 : i32, i32
  }
  func.func @transform_3(%arg0: i32) -> (i32, i32) {
    %c0_i32 = arith.constant 0 : i32
    %c0_i32_0 = arith.constant 0 : i32
    return %arg0, %c0_i32 : i32, i32
  }
}

module attributes {stable_mosaic.version = 14 : i64} {
  func.func @_post_body(%arg0: i32, %arg1: memref<2x1000x128xf32, #tpu.memory_space<vmem>>, %arg2: memref<1000x128xf32, #tpu.memory_space<vmem>>) attributes {dimension_semantics = [#tpu.dimension_semantics<arbitrary>], iteration_bounds = array<i64: 10>, scalar_prefetch = 0 : i64, scratch_operands = 0 : i64, tpu.core_type = #tpu.core_type<tc>, window_params = [{transform_indices = @transform_0, window_bounds = array<i64: 2, 1000, 128>}, {transform_indices = @transform_1, window_bounds = array<i64: 1000, 128>}]} {
    %get3A = arith.constant 0 : index
    %get3A_0 = arith.constant 0 : index
    %get3A_1 = arith.constant 0 : index
    %get3A_2 = vector.load %arg1[%get3A, %get3A_0, %get3A_1] : memref<2x1000x128xf32, #tpu.memory_space<vmem>>, vector<1x1000x128xf32>
    %get3A_3 = vector.shape_cast %get3A_2 : vector<1x1000x128xf32> to vector<1000x128xf32>
    %get3A_4 = arith.constant 1 : index
    %get3A_5 = arith.constant 0 : index
    %get3A_6 = arith.constant 0 : index
    %get3A_7 = vector.load %arg1[%get3A_4, %get3A_5, %get3A_6] : memref<2x1000x128xf32, #tpu.memory_space<vmem>>, vector<1x1000x128xf32>
    %get3A_8 = vector.shape_cast %get3A_7 : vector<1x1000x128xf32> to vector<1000x128xf32>
    %add3A = arith.addf %get3A_3, %get3A_8 : vector<1000x128xf32>
    %min3A = arith.constant 1.000000e+06 : f32
    %min3A_9 = vector.broadcast %min3A : f32 to vector<1000x128xf32>
    %min3A_10 = arith.minimumf %add3A, %min3A_9 : vector<1000x128xf32>
    %mul3A = arith.mulf %min3A_10, %min3A_10 : vector<1000x128xf32>
    %reduce_sum3A = arith.constant dense<0.000000e+00> : vector<1000xf32>
    %reduce_sum3A_11 = vector.multi_reduction <add>, %mul3A, %reduce_sum3A [1] : vector<1000x128xf32> to vector<1000xf32>
    %broadcast_in_dim3A = vector.shape_cast %reduce_sum3A_11 : vector<1000xf32> to vector<1000x1xf32>
    %sqrt3A = math.sqrt %broadcast_in_dim3A : vector<1000x1xf32>
    %jit3A = arith.constant 1.000000e-15 : f32
    %max3A = vector.broadcast %jit3A : f32 to vector<1000x1xf32>
    %max3A_12 = arith.maximumf %max3A, %sqrt3A : vector<1000x1xf32>
    %tanh3A = math.tanh %max3A_12 : vector<1000x1xf32>
    %mul3A_13 = vector.broadcast %tanh3A : vector<1000x1xf32> to vector<1000x128xf32>
    %mul3A_14 = arith.mulf %mul3A_13, %min3A_10 : vector<1000x128xf32>
    %div3A = vector.broadcast %max3A_12 : vector<1000x1xf32> to vector<1000x128xf32>
    %div3A_15 = arith.divf %mul3A_14, %div3A : vector<1000x128xf32>
    %mul3A_16 = arith.mulf %div3A_15, %div3A_15 : vector<1000x128xf32>
    %reduce_sum3A_17 = arith.constant dense<0.000000e+00> : vector<1000xf32>
    %reduce_sum3A_18 = vector.multi_reduction <add>, %mul3A_16, %reduce_sum3A_17 [1] : vector<1000x128xf32> to vector<1000xf32>
    %broadcast_in_dim3A_19 = vector.shape_cast %reduce_sum3A_18 : vector<1000xf32> to vector<1000x1xf32>
    %sqrt3A_20 = math.sqrt %broadcast_in_dim3A_19 : vector<1000x1xf32>
    %jit3A_21 = arith.constant 1.000000e-15 : f32
    %max3A_22 = vector.broadcast %jit3A_21 : f32 to vector<1000x1xf32>
    %max3A_23 = arith.maximumf %max3A_22, %sqrt3A_20 : vector<1000x1xf32>
    %gt3A = arith.constant 0.999989986 : f32
    %gt3A_24 = vector.broadcast %gt3A : f32 to vector<1000x1xf32>
    %gt3A_25 = arith.cmpf ogt, %max3A_23, %gt3A_24 : vector<1000x1xf32>
    %div3A_26 = vector.broadcast %max3A_23 : vector<1000x1xf32> to vector<1000x128xf32>
    %div3A_27 = arith.divf %div3A_15, %div3A_26 : vector<1000x128xf32>
    %mul3A_28 = arith.constant 0.999989986 : f32
    %mul3A_29 = vector.broadcast %mul3A_28 : f32 to vector<1000x128xf32>
    %mul3A_30 = arith.mulf %div3A_27, %mul3A_29 : vector<1000x128xf32>
    %broadcast_in_dim3A_31 = vector.shape_cast %gt3A_25 : vector<1000x1xi1> to vector<1000x1xi1>
    %broadcast_in_dim3A_32 = vector.broadcast %broadcast_in_dim3A_31 : vector<1000x1xi1> to vector<1000x128xi1>
    %select_n3A = arith.select %broadcast_in_dim3A_32, %mul3A_30, %div3A_15 : vector<1000x128xi1>, vector<1000x128xf32>
    %mul3A_33 = arith.mulf %select_n3A, %select_n3A : vector<1000x128xf32>
    %reduce_sum3A_34 = arith.constant dense<0.000000e+00> : vector<1000xf32>
    %reduce_sum3A_35 = vector.multi_reduction <add>, %mul3A_33, %reduce_sum3A_34 [1] : vector<1000x128xf32> to vector<1000xf32>
    %broadcast_in_dim3A_36 = vector.shape_cast %reduce_sum3A_35 : vector<1000xf32> to vector<1000x1xf32>
    %sqrt3A_37 = math.sqrt %broadcast_in_dim3A_36 : vector<1000x1xf32>
    %jit3A_38 = arith.constant 1.000000e-15 : f32
    %max3A_39 = vector.broadcast %jit3A_38 : f32 to vector<1000x1xf32>
    %max3A_40 = arith.maximumf %max3A_39, %sqrt3A_37 : vector<1000x1xf32>
    %div3A_41 = vector.broadcast %max3A_40 : vector<1000x1xf32> to vector<1000x128xf32>
    %div3A_42 = arith.divf %select_n3A, %div3A_41 : vector<1000x128xf32>
    %jit3A_43 = arith.constant -0.99999988 : f32
    %jit3A_44 = arith.constant 0.99999988 : f32
    %max3A_45 = vector.broadcast %jit3A_43 : f32 to vector<1000x1xf32>
    %max3A_46 = arith.maximumf %max3A_45, %max3A_40 : vector<1000x1xf32>
    %min3A_47 = vector.broadcast %jit3A_44 : f32 to vector<1000x1xf32>
    %min3A_48 = arith.minimumf %min3A_47, %max3A_46 : vector<1000x1xf32>
    %add3A_49 = arith.constant 1.000000e+00 : f32
    %add3A_50 = vector.broadcast %add3A_49 : f32 to vector<1000x1xf32>
    %add3A_51 = arith.addf %add3A_50, %min3A_48 : vector<1000x1xf32>
    %sub3A = arith.constant 1.000000e+00 : f32
    %sub3A_52 = vector.broadcast %sub3A : f32 to vector<1000x1xf32>
    %sub3A_53 = arith.subf %sub3A_52, %min3A_48 : vector<1000x1xf32>
    %div3A_54 = arith.divf %add3A_51, %sub3A_53 : vector<1000x1xf32>
    %log3A = math.log %div3A_54 : vector<1000x1xf32>
    %mul3A_55 = arith.constant 5.000000e-01 : f32
    %mul3A_56 = vector.broadcast %mul3A_55 : f32 to vector<1000x1xf32>
    %mul3A_57 = arith.mulf %mul3A_56, %log3A : vector<1000x1xf32>
    %mul3A_58 = vector.broadcast %mul3A_57 : vector<1000x1xf32> to vector<1000x128xf32>
    %mul3A_59 = arith.mulf %div3A_42, %mul3A_58 : vector<1000x128xf32>
    %max3A_60 = arith.constant 0.000000e+00 : f32
    %max3A_61 = vector.broadcast %max3A_60 : f32 to vector<1000x128xf32>
    %max3A_62 = arith.maximumf %mul3A_59, %max3A_61 : vector<1000x128xf32>
    %min3A_63 = arith.constant 1.000000e+06 : f32
    %min3A_64 = vector.broadcast %min3A_63 : f32 to vector<1000x128xf32>
    %min3A_65 = arith.minimumf %max3A_62, %min3A_64 : vector<1000x128xf32>
    %mul3A_66 = arith.mulf %min3A_65, %min3A_65 : vector<1000x128xf32>
    %reduce_sum3A_67 = arith.constant dense<0.000000e+00> : vector<1000xf32>
    %reduce_sum3A_68 = vector.multi_reduction <add>, %mul3A_66, %reduce_sum3A_67 [1] : vector<1000x128xf32> to vector<1000xf32>
    %broadcast_in_dim3A_69 = vector.shape_cast %reduce_sum3A_68 : vector<1000xf32> to vector<1000x1xf32>
    %sqrt3A_70 = math.sqrt %broadcast_in_dim3A_69 : vector<1000x1xf32>
    %jit3A_71 = arith.constant 1.000000e-15 : f32
    %max3A_72 = vector.broadcast %jit3A_71 : f32 to vector<1000x1xf32>
    %max3A_73 = arith.maximumf %max3A_72, %sqrt3A_70 : vector<1000x1xf32>
    %tanh3A_74 = math.tanh %max3A_73 : vector<1000x1xf32>
    %mul3A_75 = vector.broadcast %tanh3A_74 : vector<1000x1xf32> to vector<1000x128xf32>
    %mul3A_76 = arith.mulf %mul3A_75, %min3A_65 : vector<1000x128xf32>
    %div3A_77 = vector.broadcast %max3A_73 : vector<1000x1xf32> to vector<1000x128xf32>
    %div3A_78 = arith.divf %mul3A_76, %div3A_77 : vector<1000x128xf32>
    %swap3A = arith.constant 0 : index
    %swap3A_79 = arith.constant 0 : index
    %swap3A_80 = vector.load %arg2[%swap3A, %swap3A_79] : memref<1000x128xf32, #tpu.memory_space<vmem>>, vector<1000x128xf32>
    tpu.vector_store %arg2[%swap3A, %swap3A_79], %div3A_78 {strides = array<i32>} : memref<1000x128xf32, #tpu.memory_space<vmem>>, vector<1000x128xf32>,
    return
  }
  func.func @transform_0(%arg0: i32) -> (i32, i32, i32) {
    %c0_i32 = arith.constant 0 : i32
    %c0_i32_0 = arith.constant 0 : i32
    %c0_i32_1 = arith.constant 0 : i32
    return %c0_i32, %arg0, %c0_i32_0 : i32, i32, i32
  }
  func.func @transform_1(%arg0: i32) -> (i32, i32) {
    %c0_i32 = arith.constant 0 : i32
    %c0_i32_0 = arith.constant 0 : i32
    return %arg0, %c0_i32 : i32, i32
  }
}

</mosaic_0001>

<sc_bundles>
// kernel: kernel.5.cloned.1.call-start
scs
__scs_entry_jumppad:
0x0: {  	(pc) =	sbr.rel $0x88, $3  }
0x1: {  	(tag) =	ssettag $0x0;
	lr =	simm.s32 $0x1  }
0x2: {  	[smem:$0x3F9D] =	sst lr;
	_ =	strace $0xD0000000  }
0x3: {  	_ = 	snop  }
0x4: {  	_ = 	snop  }
0x5: {  	_ = 	snop  }
0x6: {  	_ = 	snop  }
0x7: {  	_ = 	snop  }
__scs_overlays_trampoline_lowered:
0x8: {  	[smem:$0x3FAC] =	sst s0  }
0x9: {  	[smem:$0x3FAD] =	sst s1  }
0xa: {  	[smem:$0x3FAE] =	sst s2  }
0xb: {  	[smem:$0x3FAF] =	sst s3  }
0xc: {  	[smem:$0x3FB0] =	sst s4  }
0xd: {  	[smem:$0x3FB1] =	sst s5  }
0xe: {  	[smem:$0x3FB2] =	sst s6  }
0xf: {  	[smem:$0x3FB3] =	sst s7  }
0x10: {  	[smem:$0x3FB4] =	sst s8  }
0x11: {  	[smem:$0x3FB5] =	sst s9;
	s0 =	simm.s32 @!p0 $0x0  }
0x12: {  	s1 =	sld [smem:$0x3F9B];
	s0 =	simm.s32 @p0 $0x1  }
0x13: {  	[smem:$0x3FB6] =	sst s0;
	s0 =	simm.s32 @!p1 $0x0  }
0x14: {  	s2 =	sld [smem:$0x3F9A];
	s0 =	simm.s32 @p1 $0x1  }
0x15: {  	[smem:$0x3FB7] =	sst s0;
	s0 =	simm.s32 @!p2 $0x0  }
0x16: {  	s3 =	sld [smem:$0x3FDB];
	s0 =	simm.s32 @p2 $0x1  }
0x17: {  	s4 =	simm.s32 $0x1BF5;
	[smem:$0x3FB9] =	sst s0  }
0x18: {  	s0 =	sld [smem:$0x3F9C];
	_ =	swait.ge [sflag:s4], $0x0  }
0x19: {  	s7 =	sld [smem:$0x3F9D]  }
0x1a: {  	s8 =	sadd.s32 $0xFFFFE003, lr  }
0x1b: {  	s9 =	sadd.s32 $0xFFFFFEF7, lr;
	s5 =	simm.s32 $0xFFFFFFFF;
	p2 =	slt.u32 s8, $0xFFFFF086  }
0x1c: {  	p1 =	slt.u32 s9, $0xF7A;
	s5 =	simm.s32 @!p2 $0x0  }
0x1d: {  	s5 =	simm.s32 @p1 $0x1;
	p0 =	seq.s32 s7, s2  }
0x1e: {  	s7 =	smul.u32 @!p0 $0xF7A, s2;
	p2 =	seq.s32 @!p0 s5, $0x0  }
0x1f: {  	s9 =	smul.u32 $0xF7A, s1;
	s8 =	simm.s32 @!p0 $0x1BF5;
	p2 =	por !p2, p0  }
0x20: {  	[sflag:s8] =	ssyncset.s32 @!p0 $0xFFFFF086;
	s6 =	sadd.s32 @!p0 s3, s7;
	s7 =	simm.s32 @!p0 $0x108  }
0x21: {  	s3 =	sadd.s32 s3, s9;
	s6 =	sadd.s32 @!p0 $0x88, s6;
	s7 =	simm.s32 @p2 $0x1082  }
0x22: {  	[simem:s7], [sflag:s8] =	dma.local @!p0 [hbm:s6], $0xF7A  }
0x23: {  	s9 =	sor.u32 $0xD0000000, s2;
	s6 =	simm.s32 $0x108;
	_ =	swait.ge @!p0 [sflag:s8], $0x0  }
0x24: {  	s3 =	sadd.s32 $0x88, s3;
	s6 =	simm.s32 @!p1 $0x1082;
	[sflag:s4] =	ssyncset.s32 $0xFFFFF086  }
0x25: {  	[simem:s6], [sflag:s4] =	dma.local [hbm:s3], $0xF7A  }
0x26: {  	[smem:$0x3F9D] =	sst s1;
	(tag) =	ssettag s2;
	_ =	strace s9  }
0x27: {  	s1 =	sld [smem:$0x3FAD]  }
0x28: {  	s2 =	sld [smem:$0x3FAE]  }
0x29: {  	s4 =	sld [smem:$0x3FB0]  }
0x2a: {  	p0 =	seq.s32 s5, $0x0;
	s5 =	sld [smem:$0x3FB1]  }
0x2b: {  	s6 =	sld [smem:$0x3FB2]  }
0x2c: {  	s7 =	sld [smem:$0x3FB3]  }
0x2d: {  	s3 =	simm.s32 $0x108;
	s8 =	sld [smem:$0x3FB4]  }
0x2e: {  	s3 =	simm.s32 @!p0 $0x1082;
	s9 =	sld [smem:$0x3FB5]  }
0x2f: {  	lr =	sadd.s32 s0, s3;
	s0 =	sld [smem:$0x3FAC]  }
0x30: {  	s3 =	sld [smem:$0x3FAF]  }
0x31: {  	[smem:$0x3FB8] =	sst s10  }
0x32: {  	s10 =	sld [smem:$0x3FB6];
	_ =	sdelay $0x3  }
0x33: {  	p0 =	seq.s32 s10, $0x1;
	s10 =	sld [smem:$0x3FB8];
	_ =	sdelay $0x3  }
0x34: {  	[smem:$0x3FB8] =	sst s10  }
0x35: {  	s10 =	sld [smem:$0x3FB7];
	_ =	sdelay $0x3  }
0x36: {  	p1 =	seq.s32 s10, $0x1;
	s10 =	sld [smem:$0x3FB8];
	_ =	sdelay $0x3  }
0x37: {  	[smem:$0x3FB8] =	sst s10  }
0x38: {  	s10 =	sld [smem:$0x3FB9]  }
0x39: {  	_ = 	snop;
	(pc) =	sbr.ind lr, $3  }
0x3a: {  	_ = 	snop  }
0x3b: {  	_ = 	snop  }
0x3c: {  	p2 =	seq.s32 s10, $0x1;
	s10 =	sld [smem:$0x3FB8]  }
0x3d: {  	_ =	shalt  }
0x3e: {  	_ =	shalt  }
0x3f: {  	_ =	shalt  }
0x40: {  	_ =	shalt  }
0x41: {  	_ =	shalt  }
0x42: {  	_ =	shalt  }
0x43: {  	_ =	shalt  }
0x44: {  	_ =	shalt  }
0x45: {  	_ =	shalt  }
0x46: {  	_ =	shalt  }
0x47: {  	_ =	shalt  }
0x48: {  	_ =	shalt  }
0x49: {  	_ =	shalt  }
0x4a: {  	_ =	shalt  }
0x4b: {  	_ =	shalt  }
0x4c: {  	_ =	shalt  }
0x4d: {  	_ =	shalt  }
0x4e: {  	_ =	shalt  }
0x4f: {  	_ =	shalt  }
0x50: {  	_ =	shalt  }
0x51: {  	_ =	shalt  }
0x52: {  	_ =	shalt  }
0x53: {  	_ =	shalt  }
0x54: {  	_ =	shalt  }
0x55: {  	_ =	shalt  }
0x56: {  	_ =	shalt  }
0x57: {  	_ =	shalt  }
0x58: {  	_ =	shalt  }
0x59: {  	_ =	shalt  }
0x5a: {  	_ =	shalt  }
0x5b: {  	_ =	shalt  }
0x5c: {  	_ =	shalt  }
0x5d: {  	_ =	shalt  }
0x5e: {  	_ =	shalt  }
0x5f: {  	_ =	shalt  }
0x60: {  	_ =	shalt  }
0x61: {  	_ =	shalt  }
0x62: {  	_ =	shalt  }
0x63: {  	_ =	shalt  }
0x64: {  	_ =	shalt  }
0x65: {  	_ =	shalt  }
0x66: {  	_ =	shalt  }
0x67: {  	_ =	shalt  }
0x68: {  	_ =	shalt  }
0x69: {  	_ =	shalt  }
0x6a: {  	_ =	shalt  }
0x6b: {  	_ =	shalt  }
0x6c: {  	_ =	shalt  }
0x6d: {  	_ =	shalt  }
0x6e: {  	_ =	shalt  }
0x6f: {  	_ =	shalt  }
0x70: {  	_ =	shalt  }
0x71: {  	_ =	shalt  }
0x72: {  	_ =	shalt  }
0x73: {  	_ =	shalt  }
0x74: {  	_ =	shalt  }
0x75: {  	_ =	shalt  }
0x76: {  	_ =	shalt  }
0x77: {  	_ =	shalt  }
0x78: {  	_ =	shalt  }
0x79: {  	_ =	shalt  }
0x7a: {  	_ =	shalt  }
0x7b: {  	_ =	shalt  }
0x7c: {  	_ =	shalt  }
0x7d: {  	_ =	shalt  }
0x7e: {  	_ =	shalt  }
0x7f: {  	_ =	shalt  }
0x80: {  	_ =	shalt  }
0x81: {  	_ =	shalt  }
0x82: {  	_ =	shalt  }
0x83: {  	_ =	shalt  }
0x84: {  	_ =	shalt  }
0x85: {  	_ =	shalt  }
0x86: {  	_ =	shalt  }
0x87: {  	_ =	shalt  }
.Lfunc_end0:
.L_simem_size_0:
called_computation_lowered:
.L_overlay_start_0:
0x88: {  	s2 =	sld [smem:$0x3FD9]  }
0x89: {  	s3 =	sld [smem:$0x3FFE];
	_ =	sdelay $0x1  }
0x8a: {  	s1 =	srdreg.scid  }
0x8b: {  	s0 =	sand.u32 $0x1, s1  }
0x8c: {  	s17 =	sshll.u32 s0, $0xA;
	s2 =	sadd.s32 s3, s2  }
0x8d: {  	s2 =	sadd.s32 s2, s17  }
0x8e: {  	[smem:$0x3FC4] =	sst s2  }
0x8f: {  	_ = 	snop  }
0x90: {  	s2 =	sld [smem:$0x3FD0];
	(tm) =	ssettm $0x1  }
0x91: {  	s18 =	sld [smem:$0x3FFB];
	_ =	sdelay $0x3  }
0x92: {  	_ =	strace s18  }
0x93: {  	s3 =	sld [smem:$0x3FFC];
	_ =	sdelay $0x3  }
0x94: {  	_ =	strace s3  }
0x95: {  	s3 =	sld [smem:$0x3FFD];
	_ =	sdelay $0x3  }
0x96: {  	_ =	strace s3  }
0x97: {  	_ =	strace $0x8FFFFFFF  }
0x98: {  	s19 =	sld [smem:$0x3FDB];
	_ =	sdelay $0x1  }
0x99: {  	s4 =	simm.s32 $_scs_section_size  }
0x9a: {  	s5 =	simm.s32 $_size__tile_overlayer_lowered;
	s6 =	simm.s32 $_tile_overlayer_lowered  }
0x9b: {  	s22 =	simm.s32 $0x1BFF;
	s21 =	sshll.u32 s6, $0x1;
	s3 =	sadd.s32 s4, s19  }
0x9c: {  	s7 =	simm.s32 $0x0;
	s20 =	sshll.u32 s5, $0x1;
	s5 =	sadd.s32 s21, s3  }
0x9d: {  	[timem:s7], [sflag:s22] =	dma.local [hbm:s5], s20  }
0x9e: {  	_ =	swait.ge [sflag:s22], s20  }
0x9f: {  	s4 =	ssub.s32 $0x0, s20;
	[sflag:s22] =	ssyncset.done $0x0  }
0xa0: {  	[sflag:s22] =	ssyncadd.s32 s4;
	_ =	sdelay $0x1  }
0xa1: {  	s23 =	simm.s32 $0x1B8B  }
0xa2: {  	_ =	swait.ge [sflag:s23], $0x1  }
0xa3: {  	[sflag:s23] =	ssyncset.done $0x0  }
0xa4: {  	s25 =	simm.s32 $0x1B8E;
	s24 =	sld [smem:$0x3FFE];
	[sflag:s23] =	ssyncadd.s32 $0xFFFFFFFF  }
0xa5: {  	s26 =	simm.s32 $execute0_lowered;
	[smem:$0x3FD2] =	sst s25  }
0xa6: {  	s5 =	sshll.u32 s26, $0x1;
	_ =	strace $0x80000046;
	[dreg:$0x1] =	wrdreg $0xFFFFFFFF  }
0xa7: {  	s28 =	simm.s32 $_size_execute0_lowered;
	s3 =	sadd.s32 s3, s5;
	[dreg:$0x0] =	wrdreg $0x0  }
0xa8: {  	s5 =	sshll.u32 s28, $0x1;
	[dreg:$0x2] =	wrdreg s3  }
0xa9: {  	[dreg:$0x3] =	wrdreg s5  }
0xaa: {  	[dreg:$0x4] =	wrdreg $0xC0  }
0xab: {  	_ =	task [dreg:s7], $0x5FFFF  }
0xac: {  	[dreg:$0x1] =	wrdreg $0xFFFFFFFF  }
0xad: {  	[dreg:$0x0] =	wrdreg $0x60  }
0xae: {  	[dreg:$0x2] =	wrdreg s24  }
0xaf: {  	[dreg:$0x3] =	wrdreg s2  }
0xb0: {  	[dreg:$0x4] =	wrdreg $0x9A000  }
0xb1: {  	[dreg:$0x5] =	wrdreg $0x9  }
0xb2: {  	_ =	task.clear_ibuf [dreg:s7], $0x6FFFF;
	_ =	strace $0x90000046  }
0xb3: {  	s29 =	simm.s32 $0x9;
	_ =	strace $0x80000048  }
0xb4: {  	_ =	swait.ge [sflag:s29], $0x1  }
0xb5: {  	[sflag:s29] =	ssyncadd.s32 $0xFFFFFFFF  }
0xb6: {  	_ =	strace $0x90000048  }
0xb7: {  	_ =	sfence  }
0xb8: {  	s30 =	sld [smem:$0x0];
	_ =	sdelay $0x2  }
0xb9: {  	s31 =	sshll.u32 s1, $0xD;
	s1 =	sshrl.u32 s1, $0x2  }
0xba: {  	s3 =	sand.u32 $0x4000, s31;
	s1 =	sadd.s32 s1, s30  }
0xbb: {  	s0 =	sor.u32 s3, s0;
	s1 =	sshll.u32 s1, $0x11  }
0xbc: {  	s0 =	sor.u32 s1, s0  }
0xbd: {  	s0 =	sadd.s32 $0x8F2B, s0  }
0xbe: {  	[sflag:s0] =	ssyncadd.remote.s32 $0x1  }
0xbf: {  	_ =	sfence.sel $0xFFFF  }
0xc0: {  	[dreg:$0x0] =	wrdreg $0xFFFFFFFF;
	(pc) =	sbr.abs _section_cstart, $3  }
0xc1: {  	[dreg:$0x1] =	wrdreg $0xFFFFFFFF  }
0xc2: {  	_ =	task.clear_ibuf [dreg:s7], $0x2FFFF;
	_ =	strace $0x9FFFFFFF  }
0xc3: {  	(tm) =	ssettm $0x7FFFFFFF  }
tec
execute0_lowered:
.L_overlay_start_1:
0x0: {  	(tag) =	ssettag $0x1  }
0x1: {  	s0 =	rddreg [dreg:$0x0]  }
0x2: {  	s1 =	rddreg [dreg:$0x1]  }
0x3: {  	s3 =	rddreg [dreg:$0x2];
	s2 =	simm.s32 $0x0;
	s9 =	stileid.u32  }
0x4: {  	s4 =	srdreg.scid;
	[smem:$0x7FF] =	sst s2  }
0x5: {  	s28 =	sshll.u32 s9, $0xB;
	s4 =	sand.u32 $0x1, s4;
	s5 =	smul.u32 $0x4E000, s9  }
0x6: {  	s2 =	sadd.s32 s28, s0;
	s6 =	ssub.s32 $0x2, s4;
	s7 =	sshll.u32 s4, $0xF  }
0x7: {  	s8 =	sshrl.u32 s6, $0x1;
	s2 =	sadd.s32 s7, s2;
	s5 =	sshrl.u32 s5, $0x2  }
0x8: {  	s29 =	ssub.s32 s6, s8;
	s2 =	sadd.s32 $0xA00, s2;
	s6 =	sadd.s32 s5, s3  }
0x9: {  	_ =	strace $0x80000047;
	[dreg:$0x4] =	wrdreg s2;
	s30 =	sadd.s32 $0x800, s6  }
0xa: {  	s31 =	sadd.s32 $0x1000, s6;
	[dreg:$0x5] =	wrdreg s30  }
0xb: {  	s5 =	sadd.s32 $0x1800, s6;
	[dreg:$0x6] =	wrdreg s31  }
0xc: {  	s8 =	sadd.s32 $0x2000, s6;
	[dreg:$0x7] =	wrdreg s5  }
0xd: {  	s10 =	sadd.s32 $0x2800, s6;
	[dreg:$0x8] =	wrdreg s8  }
0xe: {  	s11 =	sadd.s32 $0x3000, s6;
	[dreg:$0x9] =	wrdreg s10  }
0xf: {  	s12 =	sadd.s32 $0x3800, s6;
	[dreg:$0xa] =	wrdreg s11  }
0x10: {  	s17 =	smul.u32 $0x13800, s9;
	s13 =	sadd.s32 $0x4000, s6;
	[dreg:$0xb] =	wrdreg s12  }
0x11: {  	p0 =	sne.s32 s9, $0xF;
	s15 =	sadd.s32 $0x4800, s6;
	[dreg:$0xc] =	wrdreg s13  }
0x12: {  	s14 =	smul.u32 $0x138800, s4;
	s16 =	sadd.s32 $0x5000, s6;
	[dreg:$0xd] =	wrdreg s15  }
0x13: {  	s0 =	sadd.s32 $0x10A00, s0;
	s18 =	sadd.s32 $0x6000, s6;
	[dreg:$0xe] =	wrdreg s16  }
0x14: {  	s4 =	sadd.s32 s17, s14;
	s19 =	sadd.s32 $0x6800, s6;
	[dreg:$0x10] =	wrdreg s18  }
0x15: {  	s20 =	sadd.s32 $0x7000, s6;
	s2 =	sshrl.u32 s14, $0x3;
	[dreg:$0x11] =	wrdreg s19  }
0x16: {  	s21 =	sadd.s32 $0x7800, s6;
	s4 =	sshrl.u32 s4, $0x3;
	[dreg:$0x12] =	wrdreg s20  }
0x17: {  	s22 =	sadd.s32 $0x8000, s6;
	s24 =	smax.u32 s29, $0x1;
	[dreg:$0x13] =	wrdreg s21  }
0x18: {  	s25 =	sadd.s32 $0x8800, s6;
	s26 =	sadd.s32 $0x9000, s6;
	[dreg:$0x15] =	wrdreg s22  }
0x19: {  	s28 =	sadd.s32 $0x9800, s6;
	s29 =	sadd.s32 $0xA000, s6;
	[dreg:$0x17] =	wrdreg s24  }
0x1a: {  	s7 =	sadd.s32 $0xD000, s6;
	s9 =	sadd.s32 $0xE000, s6;
	[dreg:$0x18] =	wrdreg s25  }
0x1b: {  	s14 =	sadd.s32 $0x10800, s6;
	s17 =	sadd.s32 $0x12000, s6;
	[dreg:$0x19] =	wrdreg s26  }
0x1c: {  	s5 =	sadd.s32 $0x5800, s6;
	s2 =	sadd.s32 s0, s2;
	[dreg:$0x1a] =	wrdreg s28  }
0x1d: {  	s0 =	sadd.s32 s0, s4;
	[dreg:$0x1b] =	wrdreg s29;
	s30 =	sadd.s32 $0xA800, s6  }
0x1e: {  	s31 =	sadd.s32 $0xB000, s6;
	s4 =	sadd.s32 $0xB800, s6;
	s8 =	sadd.s32 $0xD800, s6  }
0x1f: {  	s10 =	sadd.s32 $0xE800, s6;
	s11 =	sadd.s32 $0xF000, s6;
	s12 =	sadd.s32 $0xF800, s6  }
0x20: {  	s13 =	sadd.s32 $0x10000, s6;
	s15 =	sadd.s32 $0x11000, s6;
	s16 =	sadd.s32 $0x11800, s6  }
0x21: {  	s18 =	sadd.s32 $0x12800, s6;
	s19 =	sadd.s32 $0x13000, s6;
	s20 =	sadd.s32 $0x138000, s3  }
.Ltmp0:
0x22: {  	s21 =	simm.s32 $0x3;
	[dreg:$0xf] =	wrdreg s5;
	(pc) =	sbr.rel .LBB2_1-.Ltmp0, $4  }
0x23: {  	s22 =	simm.s32 $0x9200;
	s24 =	simm.s32 $0x1;
	[dreg:$0x14] =	wrdreg s0  }
0x24: {  	s25 =	simm.s32 $0x2;
	s26 =	simm.s32 $0x0;
	[dreg:$0x1c] =	wrdreg s30  }
0x25: {  	s23 =	sadd.s32 $0x27000, s2;
	[dreg:$0x1d] =	wrdreg s31;
	s2 =	sadd.s32 $0xC000, s6  }
0x26: {  	v0 =	vimm.f32 $0.0e+00;
	s5 =	sadd.s32 $0xC800, s6;
	[dreg:$0x16] =	wrdreg s23;
	s23 =	simm.s32 $0x50  }
.LBB2_7:
0x27: {  	_ =	swait.ge [sflag:s25], $0x2800  }
0x28: {  	[sflag:s25] =	ssyncset.done $0x0  }
0x29: {  	s0 =	stileid.u32;
	[sflag:s25] =	ssyncadd.s32 $0xFFFFD800  }
0x2a: {  	s0 =	sshll.u32 s0, $0x6;
	[bflag:$0x0] =	sbarrier.arrive $0xFFFF  }
0x2b: {  	s28 =	sshrl.u32 s6, $0x3;
	s0 =	sor.u32 $0x1C03, s0;
	s29 =	rddreg [dreg:$0x14]  }
0x2c: {  	[hbm:s29], [sflag:s0] =	dma.local [spmem:s28], $0x2700  }
0x2d: {  	_ =	swait.ge [sflag:s21], $0x2700  }
0x2e: {  	[sflag:s21] =	ssyncset.done $0x0  }
0x2f: {  	s28 =	sshrl.u32 @!p0 s20, $0x3;
	s29 =	rddreg [dreg:$0x16];
	[sflag:s21] =	ssyncadd.s32 $0xFFFFD900  }
0x30: {  	[hbm:s29], [sflag:s0] =	dma.local @!p0 [spmem:s28], $0x100  }
0x31: {  	s0 =	simm.s32 @!p0 $0x3  }
0x32: {  	_ =	swait.ge @!p0 [sflag:s0], $0x100  }
0x33: {  	s26 =	sadd.s32 $0x1, s26;
	s31 =	rddreg [dreg:$0x17]  }
0x34: {  	p1 =	sne.s32 s26, s31  }
.Ltmp1:
0x35: {  	_ = 	snop;
	(pc) =	sbr.rel @!p1 .LBB2_8-.Ltmp1, $3  }
0x36: {  	_ =	sdelay $0x1  }
0x37: {  	[sflag:s0] =	ssyncset.done @!p0 $0x0  }
0x38: {  	[sflag:s0] =	ssyncadd.s32 @!p0 $0xFFFFFF00  }
.LBB2_1:
0x39: {  	s0 =	simm.s32 $0x0;
	s28 =	rddreg [dreg:$0x4]  }
0x3a: {  	[tilespmem:s0], [sflag:$0x3] =	stream.linear.gather [hbm4b:s28+s0], $0x3E80, $0x38;
	[tilespmem:$0x1D280] =	vst v63  }
0x3b: {  	_ =	swait.ge [sflag:s21], $0x3E80  }
0x3c: {  	[sflag:s21] =	ssyncset.done $0x0  }
0x3d: {  	s29 =	simm.s32 $0x200;
	s28 =	simm.s32 $0x0;
	[sflag:s21] =	ssyncadd.s32 $0xFFFFC180  }
.LBB2_2:
0x3e: {  	p1 =	sne.s32 s29, $0x1E00;
	[tilespmem:s28+$0x9270] =	vst v0  }
0x3f: {  	[tilespmem:s28+$0x9200] =	vst v0  }
0x40: {  	[tilespmem:s28+$0x9210] =	vst v0  }
.Ltmp2:
0x41: {  	[tilespmem:s28+$0x9220] =	vst v0;
	(pc) =	sbr.rel @p1 .LBB2_2-.Ltmp2, $4  }
0x42: {  	[tilespmem:s28+$0x9230] =	vst v0  }
0x43: {  	[tilespmem:s28+$0x9240] =	vst v0  }
0x44: {  	[tilespmem:s28+$0x9250] =	vst v0  }
0x45: {  	[tilespmem:s28+$0x9260] =	vst v0;
	s28 =	sshra.s32 s29, $0x2;
	s29 =	sadd.s32 $0x200, s29  }
0x46: {  	[tilespmem:s28+$0x9270] =	vst v0  }
0x47: {  	[tilespmem:s28+$0x9200] =	vst v0  }
0x48: {  	[tilespmem:s28+$0x9210] =	vst v0  }
0x49: {  	[tilespmem:s28+$0x9220] =	vst v0  }
0x4a: {  	[tilespmem:s28+$0x9230] =	vst v0  }
0x4b: {  	[tilespmem:s28+$0x9240] =	vst v0  }
0x4c: {  	[tilespmem:s28+$0x9250] =	vst v0  }
0x4d: {  	[tilespmem:s28+$0x9260] =	vst v0  }
0x4e: {  	[spmem:s6] =	stream.linear.scatter [tilespmem:s22], [sflag:$0x3], $0x800, $0x38;
	[tilespmem:$0x1D280] =	vst v63  }
0x4f: {  	_ =	swait.ge [sflag:s21], $0x800  }
0x50: {  	[sflag:s21] =	ssyncset.done $0x0  }
0x51: {  	s0 =	rddreg [dreg:$0x5];
	[sflag:s21] =	ssyncadd.s32 $0xFFFFF800  }
0x52: {  	[spmem:s0] =	stream.linear.scatter [tilespmem:s22], [sflag:$0x3], $0x800, $0x38;
	[tilespmem:$0x1D280] =	vst v63  }
0x53: {  	_ =	swait.ge [sflag:s21], $0x800  }
0x54: {  	[sflag:s21] =	ssyncset.done $0x0  }
0x55: {  	s31 =	rddreg [dreg:$0x6];
	[sflag:s21] =	ssyncadd.s32 $0xFFFFF800  }
0x56: {  	[spmem:s31] =	stream.linear.scatter [tilespmem:s22], [sflag:$0x3], $0x800, $0x38;
	[tilespmem:$0x1D280] =	vst v63  }
0x57: {  	_ =	swait.ge [sflag:s21], $0x800  }
0x58: {  	[sflag:s21] =	ssyncset.done $0x0  }
0x59: {  	s29 =	rddreg [dreg:$0x7];
	[sflag:s21] =	ssyncadd.s32 $0xFFFFF800  }
0x5a: {  	[spmem:s29] =	stream.linear.scatter [tilespmem:s22], [sflag:$0x3], $0x800, $0x38;
	[tilespmem:$0x1D280] =	vst v63  }
0x5b: {  	_ =	swait.ge [sflag:s21], $0x800  }
0x5c: {  	[sflag:s21] =	ssyncset.done $0x0  }
0x5d: {  	s30 =	rddreg [dreg:$0x8];
	[sflag:s21] =	ssyncadd.s32 $0xFFFFF800  }
0x5e: {  	[spmem:s30] =	stream.linear.scatter [tilespmem:s22], [sflag:$0x3], $0x800, $0x38;
	[tilespmem:$0x1D280] =	vst v63  }
0x5f: {  	_ =	swait.ge [sflag:s21], $0x800  }
0x60: {  	[sflag:s21] =	ssyncset.done $0x0  }
0x61: {  	s31 =	rddreg [dreg:$0x9];
	[sflag:s21] =	ssyncadd.s32 $0xFFFFF800  }
0x62: {  	[spmem:s31] =	stream.linear.scatter [tilespmem:s22], [sflag:$0x3], $0x800, $0x38;
	[tilespmem:$0x1D280] =	vst v63  }
0x63: {  	_ =	swait.ge [sflag:s21], $0x800  }
0x64: {  	[sflag:s21] =	ssyncset.done $0x0  }
0x65: {  	s29 =	rddreg [dreg:$0xa];
	[sflag:s21] =	ssyncadd.s32 $0xFFFFF800  }
0x66: {  	[spmem:s29] =	stream.linear.scatter [tilespmem:s22], [sflag:$0x3], $0x800, $0x38;
	[tilespmem:$0x1D280] =	vst v63  }
0x67: {  	_ =	swait.ge [sflag:s21], $0x800  }
0x68: {  	[sflag:s21] =	ssyncset.done $0x0  }
0x69: {  	s30 =	rddreg [dreg:$0xb];
	[sflag:s21] =	ssyncadd.s32 $0xFFFFF800  }
0x6a: {  	[spmem:s30] =	stream.linear.scatter [tilespmem:s22], [sflag:$0x3], $0x800, $0x38;
	[tilespmem:$0x1D280] =	vst v63  }
0x6b: {  	_ =	swait.ge [sflag:s21], $0x800  }
0x6c: {  	[sflag:s21] =	ssyncset.done $0x0  }
0x6d: {  	s31 =	rddreg [dreg:$0xc];
	[sflag:s21] =	ssyncadd.s32 $0xFFFFF800  }
0x6e: {  	[spmem:s31] =	stream.linear.scatter [tilespmem:s22], [sflag:$0x3], $0x800, $0x38;
	[tilespmem:$0x1D280] =	vst v63  }
0x6f: {  	_ =	swait.ge [sflag:s21], $0x800  }
0x70: {  	[sflag:s21] =	ssyncset.done $0x0  }
0x71: {  	s29 =	rddreg [dreg:$0xd];
	[sflag:s21] =	ssyncadd.s32 $0xFFFFF800  }
0x72: {  	[spmem:s29] =	stream.linear.scatter [tilespmem:s22], [sflag:$0x3], $0x800, $0x38;
	[tilespmem:$0x1D280] =	vst v63  }
0x73: {  	_ =	swait.ge [sflag:s21], $0x800  }
0x74: {  	[sflag:s21] =	ssyncset.done $0x0  }
0x75: {  	s30 =	rddreg [dreg:$0xe];
	[sflag:s21] =	ssyncadd.s32 $0xFFFFF800  }
0x76: {  	[spmem:s30] =	stream.linear.scatter [tilespmem:s22], [sflag:$0x3], $0x800, $0x38;
	[tilespmem:$0x1D280] =	vst v63  }
0x77: {  	_ =	swait.ge [sflag:s21], $0x800  }
0x78: {  	[sflag:s21] =	ssyncset.done $0x0  }
0x79: {  	s31 =	rddreg [dreg:$0xf];
	[sflag:s21] =	ssyncadd.s32 $0xFFFFF800  }
0x7a: {  	[spmem:s31] =	stream.linear.scatter [tilespmem:s22], [sflag:$0x3], $0x800, $0x38;
	[tilespmem:$0x1D280] =	vst v63  }
0x7b: {  	_ =	swait.ge [sflag:s21], $0x800  }
0x7c: {  	[sflag:s21] =	ssyncset.done $0x0  }
0x7d: {  	s29 =	rddreg [dreg:$0x10];
	[sflag:s21] =	ssyncadd.s32 $0xFFFFF800  }
0x7e: {  	[spmem:s29] =	stream.linear.scatter [tilespmem:s22], [sflag:$0x3], $0x800, $0x38;
	[tilespmem:$0x1D280] =	vst v63  }
0x7f: {  	_ =	swait.ge [sflag:s21], $0x800  }
0x80: {  	[sflag:s21] =	ssyncset.done $0x0  }
0x81: {  	s30 =	rddreg [dreg:$0x11];
	[sflag:s21] =	ssyncadd.s32 $0xFFFFF800  }
0x82: {  	[spmem:s30] =	stream.linear.scatter [tilespmem:s22], [sflag:$0x3], $0x800, $0x38;
	[tilespmem:$0x1D280] =	vst v63  }
0x83: {  	_ =	swait.ge [sflag:s21], $0x800  }
0x84: {  	[sflag:s21] =	ssyncset.done $0x0  }
0x85: {  	s31 =	rddreg [dreg:$0x12];
	[sflag:s21] =	ssyncadd.s32 $0xFFFFF800  }
0x86: {  	[spmem:s31] =	stream.linear.scatter [tilespmem:s22], [sflag:$0x3], $0x800, $0x38;
	[tilespmem:$0x1D280] =	vst v63  }
0x87: {  	_ =	swait.ge [sflag:s21], $0x800  }
0x88: {  	[sflag:s21] =	ssyncset.done $0x0  }
0x89: {  	s29 =	rddreg [dreg:$0x13];
	[sflag:s21] =	ssyncadd.s32 $0xFFFFF800  }
0x8a: {  	[spmem:s29] =	stream.linear.scatter [tilespmem:s22], [sflag:$0x3], $0x800, $0x38;
	[tilespmem:$0x1D280] =	vst v63  }
0x8b: {  	_ =	swait.ge [sflag:s21], $0x800  }
0x8c: {  	[sflag:s21] =	ssyncset.done $0x0  }
0x8d: {  	s30 =	rddreg [dreg:$0x15];
	[sflag:s21] =	ssyncadd.s32 $0xFFFFF800  }
0x8e: {  	[spmem:s30] =	stream.linear.scatter [tilespmem:s22], [sflag:$0x3], $0x800, $0x38;
	[tilespmem:$0x1D280] =	vst v63  }
0x8f: {  	_ =	swait.ge [sflag:s21], $0x800  }
0x90: {  	[sflag:s21] =	ssyncset.done $0x0  }
0x91: {  	s31 =	rddreg [dreg:$0x18];
	[sflag:s21] =	ssyncadd.s32 $0xFFFFF800  }
0x92: {  	[spmem:s31] =	stream.linear.scatter [tilespmem:s22], [sflag:$0x3], $0x800, $0x38;
	[tilespmem:$0x1D280] =	vst v63  }
0x93: {  	_ =	swait.ge [sflag:s21], $0x800  }
0x94: {  	[sflag:s21] =	ssyncset.done $0x0  }
0x95: {  	s29 =	rddreg [dreg:$0x19];
	[sflag:s21] =	ssyncadd.s32 $0xFFFFF800  }
0x96: {  	[spmem:s29] =	stream.linear.scatter [tilespmem:s22], [sflag:$0x3], $0x800, $0x38;
	[tilespmem:$0x1D280] =	vst v63  }
0x97: {  	_ =	swait.ge [sflag:s21], $0x800  }
0x98: {  	[sflag:s21] =	ssyncset.done $0x0  }
0x99: {  	s30 =	rddreg [dreg:$0x1a];
	[sflag:s21] =	ssyncadd.s32 $0xFFFFF800  }
0x9a: {  	[spmem:s30] =	stream.linear.scatter [tilespmem:s22], [sflag:$0x3], $0x800, $0x38;
	[tilespmem:$0x1D280] =	vst v63  }
0x9b: {  	_ =	swait.ge [sflag:s21], $0x800  }
0x9c: {  	[sflag:s21] =	ssyncset.done $0x0  }
0x9d: {  	s31 =	rddreg [dreg:$0x1b];
	[sflag:s21] =	ssyncadd.s32 $0xFFFFF800  }
0x9e: {  	[spmem:s31] =	stream.linear.scatter [tilespmem:s22], [sflag:$0x3], $0x800, $0x38;
	[tilespmem:$0x1D280] =	vst v63  }
0x9f: {  	_ =	swait.ge [sflag:s21], $0x800  }
0xa0: {  	[sflag:s21] =	ssyncset.done $0x0  }
0xa1: {  	s29 =	rddreg [dreg:$0x1c];
	[sflag:s21] =	ssyncadd.s32 $0xFFFFF800  }
0xa2: {  	[spmem:s29] =	stream.linear.scatter [tilespmem:s22], [sflag:$0x3], $0x800, $0x38;
	[tilespmem:$0x1D280] =	vst v63  }
0xa3: {  	_ =	swait.ge [sflag:s21], $0x800  }
0xa4: {  	[sflag:s21] =	ssyncset.done $0x0  }
0xa5: {  	s30 =	rddreg [dreg:$0x1d];
	[sflag:s21] =	ssyncadd.s32 $0xFFFFF800  }
0xa6: {  	[spmem:s30] =	stream.linear.scatter [tilespmem:s22], [sflag:$0x3], $0x800, $0x38;
	[tilespmem:$0x1D280] =	vst v63  }
0xa7: {  	_ =	swait.ge [sflag:s21], $0x800  }
0xa8: {  	[sflag:s21] =	ssyncset.done $0x0  }
0xa9: {  	[sflag:s21] =	ssyncadd.s32 $0xFFFFF800  }
0xaa: {  	[spmem:s4] =	stream.linear.scatter [tilespmem:s22], [sflag:$0x3], $0x800, $0x38;
	[tilespmem:$0x1D280] =	vst v63  }
0xab: {  	_ =	swait.ge [sflag:s21], $0x800  }
0xac: {  	[sflag:s21] =	ssyncset.done $0x0  }
0xad: {  	[sflag:s21] =	ssyncadd.s32 $0xFFFFF800  }
0xae: {  	[spmem:s2] =	stream.linear.scatter [tilespmem:s22], [sflag:$0x3], $0x800, $0x38;
	[tilespmem:$0x1D280] =	vst v63  }
0xaf: {  	_ =	swait.ge [sflag:s21], $0x800  }
0xb0: {  	[sflag:s21] =	ssyncset.done $0x0  }
0xb1: {  	[sflag:s21] =	ssyncadd.s32 $0xFFFFF800  }
0xb2: {  	[spmem:s5] =	stream.linear.scatter [tilespmem:s22], [sflag:$0x3], $0x800, $0x38;
	[tilespmem:$0x1D280] =	vst v63  }
0xb3: {  	_ =	swait.ge [sflag:s21], $0x800  }
0xb4: {  	[sflag:s21] =	ssyncset.done $0x0  }
0xb5: {  	[sflag:s21] =	ssyncadd.s32 $0xFFFFF800  }
0xb6: {  	[spmem:s7] =	stream.linear.scatter [tilespmem:s22], [sflag:$0x3], $0x800, $0x38;
	[tilespmem:$0x1D280] =	vst v63  }
0xb7: {  	_ =	swait.ge [sflag:s21], $0x800  }
0xb8: {  	[sflag:s21] =	ssyncset.done $0x0  }
0xb9: {  	[sflag:s21] =	ssyncadd.s32 $0xFFFFF800  }
0xba: {  	[spmem:s8] =	stream.linear.scatter [tilespmem:s22], [sflag:$0x3], $0x800, $0x38;
	[tilespmem:$0x1D280] =	vst v63  }
0xbb: {  	_ =	swait.ge [sflag:s21], $0x800  }
0xbc: {  	[sflag:s21] =	ssyncset.done $0x0  }
0xbd: {  	[sflag:s21] =	ssyncadd.s32 $0xFFFFF800  }
0xbe: {  	[spmem:s9] =	stream.linear.scatter [tilespmem:s22], [sflag:$0x3], $0x800, $0x38;
	[tilespmem:$0x1D280] =	vst v63  }
0xbf: {  	_ =	swait.ge [sflag:s21], $0x800  }
0xc0: {  	[sflag:s21] =	ssyncset.done $0x0  }
0xc1: {  	[sflag:s21] =	ssyncadd.s32 $0xFFFFF800  }
0xc2: {  	[spmem:s10] =	stream.linear.scatter [tilespmem:s22], [sflag:$0x3], $0x800, $0x38;
	[tilespmem:$0x1D280] =	vst v63  }
0xc3: {  	_ =	swait.ge [sflag:s21], $0x800  }
0xc4: {  	[sflag:s21] =	ssyncset.done $0x0  }
0xc5: {  	[sflag:s21] =	ssyncadd.s32 $0xFFFFF800  }
0xc6: {  	[spmem:s11] =	stream.linear.scatter [tilespmem:s22], [sflag:$0x3], $0x800, $0x38;
	[tilespmem:$0x1D280] =	vst v63  }
0xc7: {  	_ =	swait.ge [sflag:s21], $0x800  }
0xc8: {  	[sflag:s21] =	ssyncset.done $0x0  }
0xc9: {  	[sflag:s21] =	ssyncadd.s32 $0xFFFFF800  }
0xca: {  	[spmem:s12] =	stream.linear.scatter [tilespmem:s22], [sflag:$0x3], $0x800, $0x38;
	[tilespmem:$0x1D280] =	vst v63  }
0xcb: {  	_ =	swait.ge [sflag:s21], $0x800  }
0xcc: {  	[sflag:s21] =	ssyncset.done $0x0  }
0xcd: {  	[sflag:s21] =	ssyncadd.s32 $0xFFFFF800  }
0xce: {  	[spmem:s13] =	stream.linear.scatter [tilespmem:s22], [sflag:$0x3], $0x800, $0x38;
	[tilespmem:$0x1D280] =	vst v63  }
0xcf: {  	_ =	swait.ge [sflag:s21], $0x800  }
0xd0: {  	[sflag:s21] =	ssyncset.done $0x0  }
0xd1: {  	[sflag:s21] =	ssyncadd.s32 $0xFFFFF800  }
0xd2: {  	[spmem:s14] =	stream.linear.scatter [tilespmem:s22], [sflag:$0x3], $0x800, $0x38;
	[tilespmem:$0x1D280] =	vst v63  }
0xd3: {  	_ =	swait.ge [sflag:s21], $0x800  }
0xd4: {  	[sflag:s21] =	ssyncset.done $0x0  }
0xd5: {  	[sflag:s21] =	ssyncadd.s32 $0xFFFFF800  }
0xd6: {  	[spmem:s15] =	stream.linear.scatter [tilespmem:s22], [sflag:$0x3], $0x800, $0x38;
	[tilespmem:$0x1D280] =	vst v63  }
0xd7: {  	_ =	swait.ge [sflag:s21], $0x800  }
0xd8: {  	[sflag:s21] =	ssyncset.done $0x0  }
0xd9: {  	[sflag:s21] =	ssyncadd.s32 $0xFFFFF800  }
0xda: {  	[spmem:s16] =	stream.linear.scatter [tilespmem:s22], [sflag:$0x3], $0x800, $0x38;
	[tilespmem:$0x1D280] =	vst v63  }
0xdb: {  	_ =	swait.ge [sflag:s21], $0x800  }
0xdc: {  	[sflag:s21] =	ssyncset.done $0x0  }
0xdd: {  	[sflag:s21] =	ssyncadd.s32 $0xFFFFF800  }
0xde: {  	[spmem:s17] =	stream.linear.scatter [tilespmem:s22], [sflag:$0x3], $0x800, $0x38;
	[tilespmem:$0x1D280] =	vst v63  }
0xdf: {  	_ =	swait.ge [sflag:s21], $0x800  }
0xe0: {  	[sflag:s21] =	ssyncset.done $0x0  }
0xe1: {  	[sflag:s21] =	ssyncadd.s32 $0xFFFFF800  }
0xe2: {  	[spmem:s18] =	stream.linear.scatter [tilespmem:s22], [sflag:$0x3], $0x800, $0x38;
	[tilespmem:$0x1D280] =	vst v63  }
0xe3: {  	_ =	swait.ge [sflag:s21], $0x800  }
0xe4: {  	[sflag:s21] =	ssyncset.done $0x0  }
0xe5: {  	[sflag:s21] =	ssyncadd.s32 $0xFFFFF800  }
0xe6: {  	[spmem:s19] =	stream.linear.scatter [tilespmem:s22], [sflag:$0x3], $0x800, $0x38;
	[tilespmem:$0x1D280] =	vst v63  }
0xe7: {  	_ =	swait.ge [sflag:s21], $0x800  }
0xe8: {  	[sflag:s21] =	ssyncset.done $0x0  }
0xe9: {  	s28 =	simm.s32 @!p0 $0x9200;
	[sflag:s21] =	ssyncadd.s32 $0xFFFFF800  }
0xea: {  	[spmem:s20] =	stream.linear.scatter @!p0 [tilespmem:s28], [sflag:$0x3], $0x800, $0x38;
	[tilespmem:$0x1D280] =	vst v63  }
0xeb: {  	s28 =	simm.s32 @!p0 $0x3  }
0xec: {  	_ =	swait.ge @!p0 [sflag:s28], $0x800  }
0xed: {  	[sflag:s28] =	ssyncset.done @!p0 $0x0  }
0xee: {  	[sflag:s28] =	ssyncadd.s32 @!p0 $0xFFFFF800  }
0xef: {  	[bflag:$0x0] =	sbarrier.arrive $0xFFFF  }
0xf0: {  	v1 =	vld [tilespmem:$0x0];
	_ =	sdelay $0x1  }
0xf1: {  	v2 =	vld [tilespmem:$0x10];
	_ =	sdelay $0x1  }
0xf2: {  	v3 =	vld [tilespmem:$0x20]  }
0xf3: {  	v4 =	vshrl.u32 v1, $0xE  }
0xf4: {  	v63 =	vld [tilespmem:$0x30];
	v1 =	vand.u32 $0x3FFF, v1;
	[tilespmem:$0x4000] =	vst v4  }
0xf5: {  	[tilespmem:$0x4100] =	vst v1;
	v1 =	vshrl.u32 v2, $0xE  }
0xf6: {  	[tilespmem:$0x4010] =	vst v1;
	v1 =	vand.u32 $0x3FFF, v2;
	v2 =	vld [tilespmem:$0x40]  }
0xf7: {  	[tilespmem:$0x4110] =	vst v1;
	v1 =	vshrl.u32 v3, $0xE  }
0xf8: {  	[tilespmem:$0x4020] =	vst v1;
	v1 =	vand.u32 $0x3FFF, v3  }
0xf9: {  	[tilespmem:$0x4120] =	vst v1;
	v1 =	vshrl.u32 v63, $0xE  }
0xfa: {  	[tilespmem:$0x4030] =	vst v1;
	v1 =	vand.u32 $0x3FFF, v63  }
.Ltmp3:
0xfb: {  	[tilespmem:$0x4130] =	vst v1;
	v1 =	vshrl.u32 v2, $0xE;
	(pc) =	sbr.rel .LBB2_4-.Ltmp3, $4  }
0xfc: {  	[tilespmem:$0x4040] =	vst v1;
	v1 =	vand.u32 $0x3FFF, v2  }
0xfd: {  	s31 =	simm.s32 $0x4000;
	s28 =	simm.s32 $0x4200;
	[tilespmem:$0x4140] =	vst v1  }
0xfe: {  	[tilespmem:s28], [sflag:$0x1] =	stream.indirect.gather [hbm4b:s1+s23], $0x80, s31, s23, $0xb8;
	[tilespmem:$0x1D280] =	vst v63  }
0xff: {  	s28 =	simm.s32 $0x0  }
.LBB2_6:
0x100: {  	s0 =	smul.u32 $0xA000, s29;
	p1 =	slt.u32 s30, $0x7D  }
.Ltmp4:
0x101: {  	_ =	swait.ge [sflag:s24], $0x2800;
	(pc) =	sbr.rel @!p1 .LBB2_7-.Ltmp4, $4  }
0x102: {  	s28 =	sshll.u32 s29, $0x7;
	[sflag:s24] =	ssyncset.done $0x0;
	s0 =	sshrl.u32 s0, $0x2  }
0x103: {  	s28 =	sor.u32 $0x4100, s28;
	[sflag:s24] =	ssyncadd.s32 $0xFFFFD800;
	s0 =	sor.u32 $0x4200, s0  }
0x104: {  	[spmem:s3] =	stream.indirect.scatter.add.f32 [tilespmem:s0], [sflag:$0x2], $0x80, s28, s23, $0xb8;
	[tilespmem:$0x1D280] =	vst v63  }
0x105: {  	s28 =	smov.u32 s30  }
.LBB2_4:
0x106: {  	p1 =	seq.s32 s28, $0x0  }
0x107: {  	p2 =	seq.s32 @!p1 s28, $0x7C  }
0x108: {  	p2 =	por p1, !p2  }
.Ltmp5:
0x109: {  	_ = 	snop;
	(pc) =	sbr.rel @!p2 .LBB2_6-.Ltmp5, $4  }
0x10a: {  	s30 =	simm.s32 @!p1 $0x2  }
0x10b: {  	_ =	swait.ge @!p1 [sflag:s30], $0x2800  }
0x10c: {  	[sflag:s30] =	ssyncset.done @!p1 $0x0  }
0x10d: {  	s29 =	sand.u32 $0x1, s28;
	[sflag:s30] =	ssyncadd.s32 @!p1 $0xFFFFD800;
	s30 =	simm.s32 @!p1 $0x7D  }
0x10e: {  	s30 =	sadd.s32 @!p1 $0x1, s28  }
0x10f: {  	s30 =	simm.s32 @p1 $0x1  }
0x110: {  	s0 =	sshll.u32 s30, $0x7  }
0x111: {  	s28 =	sand.u32 $0x3FFFFF80, s0  }
0x112: {  	v1 =	vld [tilespmem:s28+$0x0];
	_ =	sdelay $0x3  }
0x113: {  	s31 =	sxor.u32 $0x1, s29  }
0x114: {  	s0 =	sshll.u32 s31, $0x7;
	v2 =	vshrl.u32 v1, $0xE  }
0x115: {  	v1 =	vand.u32 $0x3FFF, v1;
	[tilespmem:s0+$0x4000] =	vst v2  }
0x116: {  	[tilespmem:s0+$0x4100] =	vst v1  }
0x117: {  	v1 =	vld [tilespmem:s28+$0x10];
	_ =	sdelay $0x4  }
0x118: {  	v2 =	vshrl.u32 v1, $0xE  }
0x119: {  	v1 =	vand.u32 $0x3FFF, v1;
	[tilespmem:s0+$0x4010] =	vst v2  }
0x11a: {  	[tilespmem:s0+$0x4110] =	vst v1  }
0x11b: {  	v1 =	vld [tilespmem:s28+$0x20];
	_ =	sdelay $0x4  }
0x11c: {  	v2 =	vshrl.u32 v1, $0xE  }
0x11d: {  	v1 =	vand.u32 $0x3FFF, v1;
	[tilespmem:s0+$0x4020] =	vst v2  }
0x11e: {  	[tilespmem:s0+$0x4120] =	vst v1  }
0x11f: {  	v1 =	vld [tilespmem:s28+$0x30];
	_ =	sdelay $0x4  }
0x120: {  	v2 =	vshrl.u32 v1, $0xE  }
0x121: {  	v1 =	vand.u32 $0x3FFF, v1;
	[tilespmem:s0+$0x4030] =	vst v2  }
0x122: {  	[tilespmem:s0+$0x4130] =	vst v1  }
0x123: {  	v1 =	vld [tilespmem:s28+$0x40];
	_ =	sdelay $0x2  }
0x124: {  	s31 =	smul.u32 $0xA000, s31  }
.Ltmp6:
0x125: {  	_ = 	snop;
	(pc) =	sbr.rel .LBB2_6-.Ltmp6, $4  }
0x126: {  	v2 =	vshrl.u32 v1, $0xE  }
0x127: {  	s28 =	sshrl.u32 s31, $0x2;
	v1 =	vand.u32 $0x3FFF, v1;
	[tilespmem:s0+$0x4040] =	vst v2  }
0x128: {  	s31 =	sor.u32 $0x4000, s0;
	s28 =	sor.u32 $0x4200, s28;
	[tilespmem:s0+$0x4140] =	vst v1  }
0x129: {  	[tilespmem:s28], [sflag:$0x1] =	stream.indirect.gather [hbm4b:s1+s23], $0x80, s31, s23, $0xb8;
	[tilespmem:$0x1D280] =	vst v63  }
.LBB2_8:
0x12a: {  	_ =	sfence.sel $0x180000  }
0x12b: {  	[bflag:$0x0] =	sbarrier.arrive $0xFFFF  }
0x12c: {  	_ =	strace $0x90000047  }
0x12d: {  	s0 =	stileid.u32;
	[bflag:$0x2] =	sbarrier.arrive $0xFFFF  }
0x12e: {  	p0 =	sne.s32 s0, $0x0;
	s0 =	rddreg [dreg:$0x3]  }
0x12f: {  	s0 =	sadd.s32 @!p0 $0x100000, s0  }
0x130: {  	[sflag:s0] =	ssyncadd.tile.s32 @!p0 $0x1;
	_ =	shalt  }
.Lfunc_end2:
_tile_overlayer_lowered:
.L_overlay_start_2:
0x131: {  	(tag) =	ssettag $0x2  }
0x132: {  	s0 =	rddreg [dreg:$0x0];
	s2 =	stileid.u32  }
0x133: {  	s1 =	rddreg [dreg:$0x1];
	p0 =	sne.s32 s2, $0x0  }
0x134: {  	s3 =	rddreg [dreg:$0x2];
	[bflag:$0x3] =	sbarrier.arrive $0xFFFF;
	s2 =	simm.s32 @!p0 $0x1C03  }
0x135: {  	[timem:s3], [sflag:s2] =	dma.local @!p0 [hbm:s0], s1  }
0x136: {  	s0 =	simm.s32 @!p0 $0x3  }
0x137: {  	_ =	swait.ge @!p0 [sflag:s0], s1  }
0x138: {  	s1 =	ssub.s32 @!p0 $0x0, s1;
	[sflag:s0] =	ssyncset.done @!p0 $0x0  }
0x139: {  	[sflag:s0] =	ssyncadd.s32 @!p0 s1  }
0x13a: {  	[bflag:$0x3] =	sbarrier.arrive $0xFFFF  }
0x13b: {  	_ =	shalt  }

</sc_bundles>
